<compile_context>
chip_gen: v7x
topology: tpu7x:2x2x1
jax: 0.10.2.dev20260603
libtpu: 0.0.44.dev20260713+nightly
codegen_flags: <defaults>
</compile_context>

<pallas_src>
import functools

import jax
import jax.numpy as jnp
from jax import lax
from jax.experimental import pallas as pl
from jax.experimental.pallas import tpu as pltpu
from jax.experimental.pallas import tpu_sc as plsc

TEMPERATURE = 0.07
TOPK = 16
OFFSET_SCALE = 0.5
SPATIAL = (16, 16, 16)
B, N, C, H = 2, 4096, 128, 128

BLK_SIM = 256
BLK_REF = 256
GCHUNK = 128
TABW = 256


def _norm_proj_body(t_ref, w_ref, s8_ref, wf_ref, tn_ref, proj_ref):
    t = t_ref[0]
    norm = jnp.sqrt(jnp.sum(t * t, axis=-1, keepdims=True)) + 1e-8
    tn_ref[0] = t / norm
    proj_ref[0] = (
        jnp.dot(t, w_ref[...], preferred_element_type=jnp.float32)
        + jnp.dot(s8_ref[0], wf_ref[...], preferred_element_type=jnp.float32))


def _simtopk_body(s_ref, tn_ref, vals_ref, idx_ref):
    b = pl.program_id(0)
    s = s_ref[0]
    sn = s / (jnp.sqrt(jnp.sum(s * s, axis=-1, keepdims=True)) + 1e-8)
    tn = tn_ref[0]
    sim = lax.dot_general(sn, tn, (((1,), (1,)), ((), ())),
                          preferred_element_type=jnp.float32) / TEMPERATURE
    iota = lax.broadcasted_iota(jnp.int32, sim.shape, 1)
    kiota = lax.broadcasted_iota(jnp.int32, (BLK_SIM, TOPK), 1)
    vacc = jnp.zeros((BLK_SIM, TOPK), jnp.float32)
    iacc = jnp.zeros((BLK_SIM, TOPK), jnp.int32)
    for k in range(TOPK):
        m = jnp.max(sim, axis=1)
        mi = jnp.min(jnp.where(sim == m[:, None], iota, N), axis=1)
        vacc = jnp.where(kiota == k, m[:, None], vacc)
        iacc = jnp.where(kiota == k, mi[:, None], iacc)
        if k < TOPK - 1:
            sim = jnp.where(iota == mi[:, None], -1e30, sim)
    vals_ref[0] = vacc
    idx_ref[0] = iacc + b * N


def _refine_body(g_ref, v_ref, sd_ref, ss_ref,
                 w1s_ref, wsf_ref, wv_ref, wd_ref, b1_ref,
                 w2_ref, b2_ref, wlo_ref, blo_ref,
                 exp_ref, disp_ref, probs_ref, conf_ref, marg_ref, ent_ref):
    gall = g_ref[0]
    g = gall[..., 0:H]
    v3 = v_ref[0]
    sd = sd_ref[0]
    ss = ss_ref[0]

    cand_canon = gall[..., H:H + 3]
    cand_pos = gall[..., H + 3:H + 6]
    cm3 = gall[..., H + 6:H + 7]
    delta = cand_canon - ss[:, None, 0:3]
    dist = jnp.sqrt(jnp.sum(delta * delta, axis=-1, keepdims=True))

    srcp = (jnp.dot(sd, w1s_ref[...], preferred_element_type=jnp.float32)
            + jnp.dot(ss, wsf_ref[...], preferred_element_type=jnp.float32)
            + b1_ref[...])
    h = jax.nn.gelu(g + srcp[:, None, :] + v3 * wv_ref[...][None]
                    + dist * wd_ref[...][None])
    h = jax.nn.gelu(
        lax.dot_general(h, w2_ref[...], (((2,), (0,)), ((), ())),
                        preferred_element_type=jnp.float32) + b2_ref[...][None])
    out4 = lax.dot_general(h, wlo_ref[...], (((2,), (0,)), ((), ())),
                           preferred_element_type=jnp.float32) + blo_ref[...][None]

    logits = v3[..., 0] + out4[..., 0]
    offset = jnp.tanh(out4[..., 1:4]) * OFFSET_SCALE
    m = jnp.max(logits, axis=-1, keepdims=True)
    e = jnp.exp(logits - m)
    p = e / jnp.sum(e, axis=-1, keepdims=True)

    refined = cand_pos + offset
    expected = jnp.sum(p[..., None] * refined, axis=1)
    disp = expected - ss[:, 3:6]

    kiota = lax.broadcasted_iota(jnp.int32, p.shape, 1)
    top1 = jnp.max(p, axis=-1, keepdims=True)
    idx1 = jnp.min(jnp.where(p == top1, kiota, TOPK), axis=-1, keepdims=True)
    masked = jnp.where(kiota == idx1, -1.0, p)
    top2 = jnp.max(masked, axis=-1, keepdims=True)
    margin = top1 - top2
    btm = jnp.sum(jnp.where(kiota == idx1, cm3[..., 0], 0.0), axis=-1,
                  keepdims=True)
    conf = top1 * jnp.sqrt(jnp.maximum(ss[:, 7:8] * btm, 1e-6))
    ent = -jnp.sum(p * jnp.log(p + 1e-12), axis=-1, keepdims=True)

    exp_ref[0] = expected
    disp_ref[0] = jnp.nan_to_num(disp, nan=0.0, posinf=0.0, neginf=0.0)
    probs_ref[0] = jnp.nan_to_num(p, nan=0.0, posinf=0.0, neginf=0.0)
    conf_ref[0] = conf
    marg_ref[0] = jnp.nan_to_num(margin, nan=0.0, posinf=0.0, neginf=0.0)
    ent_ref[0] = jnp.nan_to_num(ent, nan=0.0, posinf=0.0, neginf=0.0)


def _gather_sc(tab, idx2):
    rows = idx2.shape[0] * idx2.shape[1]
    info = plsc.get_sparse_core_info()
    nw = info.num_cores * info.num_subcores
    rows_w = rows // nw
    n_chunks = rows_w // GCHUNK
    idx_rows_w = rows_w // idx2.shape[1]
    mesh = plsc.VectorSubcoreMesh(core_axis_name="c", subcore_axis_name="s")

    @functools.partial(
        pl.kernel, mesh=mesh,
        out_type=jax.ShapeDtypeStruct((rows, TABW), jnp.float32),
        scratch_types=[pltpu.VMEM((idx_rows_w, 128), jnp.int32),
                       pltpu.VMEM((GCHUNK, TABW), jnp.float32),
                       pltpu.SemaphoreType.DMA],
    )
    def gk(tab_hbm, idx_hbm, out, idx_v, buf, sem):
        wid = lax.axis_index("s") * info.num_cores + lax.axis_index("c")
        pltpu.sync_copy(idx_hbm.at[pl.ds(wid * idx_rows_w, idx_rows_w)], idx_v)

        def body(c, carry):
            pltpu.async_copy(tab_hbm.at[idx_v.at[c]], buf, sem).wait()
            base = wid * rows_w + c * GCHUNK
            pltpu.sync_copy(buf, out.at[pl.ds(base, GCHUNK)])
            return carry

        lax.fori_loop(0, n_chunks, body, 0)

    return gk(tab, idx2)


def kernel(src_descriptor, tgt_descriptor, src_canonical, tgt_canonical,
           src_positions, tgt_positions, src_uncertainty, tgt_uncertainty,
           src_matchability, tgt_matchability,
           W1, b1, W2, b2, Wl, bl, Wo, bo):
    f32 = jnp.float32

    tgt_small = jnp.concatenate(
        [tgt_canonical, tgt_positions, tgt_uncertainty[..., None],
         tgt_matchability[..., None]], axis=-1)
    w_fold = jnp.concatenate(
        [W1[2 * C + 1:2 * C + 7], W1[2 * C + 9:2 * C + 10],
         W1[2 * C + 11:2 * C + 12]], axis=0)
    tn, tgt_proj = pl.pallas_call(
        _norm_proj_body,
        grid=(B,),
        in_specs=[pl.BlockSpec((1, N, C), lambda b: (b, 0, 0)),
                  pl.BlockSpec((C, H), lambda b: (0, 0)),
                  pl.BlockSpec((1, N, 8), lambda b: (b, 0, 0)),
                  pl.BlockSpec((8, H), lambda b: (0, 0))],
        out_specs=[pl.BlockSpec((1, N, C), lambda b: (b, 0, 0)),
                   pl.BlockSpec((1, N, H), lambda b: (b, 0, 0))],
        out_shape=[jax.ShapeDtypeStruct((B, N, C), f32),
                   jax.ShapeDtypeStruct((B, N, H), f32)],
    )(tgt_descriptor, W1[C:2 * C], tgt_small, w_fold)

    vals, idxf = pl.pallas_call(
        _simtopk_body,
        grid=(B, N // BLK_SIM),
        in_specs=[pl.BlockSpec((1, BLK_SIM, C), lambda b, i: (b, i, 0)),
                  pl.BlockSpec((1, N, C), lambda b, i: (b, 0, 0))],
        out_specs=[pl.BlockSpec((1, BLK_SIM, TOPK), lambda b, i: (b, i, 0)),
                   pl.BlockSpec((1, BLK_SIM, TOPK), lambda b, i: (b, i, 0))],
        out_shape=[jax.ShapeDtypeStruct((B, N, TOPK), f32),
                   jax.ShapeDtypeStruct((B, N, TOPK), jnp.int32)],
    )(src_descriptor, tn)

    tab = jnp.concatenate(
        [tgt_proj, tgt_canonical, tgt_positions, tgt_matchability[..., None],
         jnp.zeros((B, N, TABW - H - 7), f32)], axis=-1)
    rows = B * N * TOPK
    ga = _gather_sc(tab.reshape(B * N, TABW),
                    idxf.reshape(rows // 128, 128))
    g4 = ga.reshape(B, N, TOPK, TABW)

    src_small = jnp.concatenate(
        [src_canonical, src_positions, src_uncertainty[..., None],
         src_matchability[..., None]], axis=-1)
    wlo = jnp.concatenate([Wl, Wo], axis=1)
    blo = jnp.concatenate([bl, bo])[None]
    w_sfold = jnp.concatenate(
        [-W1[2 * C + 1:2 * C + 7], W1[2 * C + 8:2 * C + 9],
         W1[2 * C + 10:2 * C + 11]], axis=0)

    outs = pl.pallas_call(
        _refine_body,
        grid=(B, N // BLK_REF),
        in_specs=[
            pl.BlockSpec((1, BLK_REF, TOPK, TABW), lambda b, i: (b, i, 0, 0)),
            pl.BlockSpec((1, BLK_REF, TOPK, 1), lambda b, i: (b, i, 0, 0)),
            pl.BlockSpec((1, BLK_REF, C), lambda b, i: (b, i, 0)),
            pl.BlockSpec((1, BLK_REF, 8), lambda b, i: (b, i, 0)),
            pl.BlockSpec((C, H), lambda b, i: (0, 0)),
            pl.BlockSpec((8, H), lambda b, i: (0, 0)),
            pl.BlockSpec((1, H), lambda b, i: (0, 0)),
            pl.BlockSpec((1, H), lambda b, i: (0, 0)),
            pl.BlockSpec((1, H), lambda b, i: (0, 0)),
            pl.BlockSpec((H, H), lambda b, i: (0, 0)),
            pl.BlockSpec((1, H), lambda b, i: (0, 0)),
            pl.BlockSpec((H, 4), lambda b, i: (0, 0)),
            pl.BlockSpec((1, 4), lambda b, i: (0, 0)),
        ],
        out_specs=[
            pl.BlockSpec((1, BLK_REF, 3), lambda b, i: (b, i, 0)),
            pl.BlockSpec((1, BLK_REF, 3), lambda b, i: (b, i, 0)),
            pl.BlockSpec((1, BLK_REF, TOPK), lambda b, i: (b, i, 0)),
            pl.BlockSpec((1, BLK_REF, 1), lambda b, i: (b, i, 0)),
            pl.BlockSpec((1, BLK_REF, 1), lambda b, i: (b, i, 0)),
            pl.BlockSpec((1, BLK_REF, 1), lambda b, i: (b, i, 0)),
        ],
        out_shape=[
            jax.ShapeDtypeStruct((B, N, 3), f32),
            jax.ShapeDtypeStruct((B, N, 3), f32),
            jax.ShapeDtypeStruct((B, N, TOPK), f32),
            jax.ShapeDtypeStruct((B, N, 1), f32),
            jax.ShapeDtypeStruct((B, N, 1), f32),
            jax.ShapeDtypeStruct((B, N, 1), f32),
        ],
    )(g4, vals[..., None], src_descriptor, src_small,
      W1[0:C], w_sfold, W1[2 * C:2 * C + 1], W1[2 * C + 7:2 * C + 8],
      b1[None], W2, b2[None], wlo, blo)

    expected, disp, probs, conf, margin, ent = outs
    raw_disp = jnp.transpose(disp, (0, 2, 1)).reshape(B, 3, *SPATIAL)
    confidence = conf.reshape(B, 1, *SPATIAL)
    margin = margin.reshape(B, 1, *SPATIAL)
    entropy = ent.reshape(B, 1, *SPATIAL)
    return (expected, raw_disp, probs, confidence, margin, entropy)

# --- scband reference (transcript-rebuilt; emitter-appended) ---
"""Pipeline reference for scband-candidate-refined-matcher-45715631899334 (READ-ONLY COPY).

The authoritative reference and input builder live on the scoring server;
editing this copy changes nothing except your own understanding.
"""

import jax, jax.numpy as jnp
import numpy as np

TEMPERATURE = 0.07
TOPK = 16
OFFSET_SCALE = 0.5
SPATIAL = (16, 16, 16)
B, N, C, H = 2, 4096, 128, 128
D_IN = 2 * C + 12


def setup_inputs(seed: int = 0) -> dict:
    key = jax.random.key(seed)
    ks = jax.random.split(key, 20)
    inp = {}
    inp['src_descriptor'] = jax.random.normal(ks[0], (B, N, C), jnp.float32)
    inp['tgt_descriptor'] = jax.random.normal(ks[1], (B, N, C), jnp.float32)
    inp['src_canonical'] = jax.random.normal(ks[2], (B, N, 3), jnp.float32)
    inp['tgt_canonical'] = jax.random.normal(ks[3], (B, N, 3), jnp.float32)
    inp['src_positions'] = jax.random.uniform(ks[4], (B, N, 3), jnp.float32)
    inp['tgt_positions'] = jax.random.uniform(ks[5], (B, N, 3), jnp.float32)
    inp['src_uncertainty'] = jax.random.uniform(ks[6], (B, N), jnp.float32)
    inp['tgt_uncertainty'] = jax.random.uniform(ks[7], (B, N), jnp.float32)
    inp['src_matchability'] = jax.random.uniform(ks[8], (B, N), jnp.float32)
    inp['tgt_matchability'] = jax.random.uniform(ks[9], (B, N), jnp.float32)
    inp['W1'] = jax.random.normal(ks[10], (D_IN, H), jnp.float32) / np.sqrt(D_IN)
    inp['b1'] = jnp.zeros((H,), jnp.float32)
    inp['W2'] = jax.random.normal(ks[11], (H, H), jnp.float32) / np.sqrt(H)
    inp['b2'] = jnp.zeros((H,), jnp.float32)
    inp['Wl'] = jax.random.normal(ks[12], (H, 1), jnp.float32) / np.sqrt(H)
    inp['bl'] = jnp.zeros((1,), jnp.float32)
    inp['Wo'] = jax.random.normal(ks[13], (H, 3), jnp.float32) / np.sqrt(H)
    inp['bo'] = jnp.zeros((3,), jnp.float32)
    return inp


def reference(src_descriptor, tgt_descriptor, src_canonical, tgt_canonical,
              src_positions, tgt_positions, src_uncertainty, tgt_uncertainty,
              src_matchability, tgt_matchability,
              W1, b1, W2, b2, Wl, bl, Wo, bo):
    sn = src_descriptor / (jnp.linalg.norm(src_descriptor, axis=-1, keepdims=True) + 1e-8)
    tn = tgt_descriptor / (jnp.linalg.norm(tgt_descriptor, axis=-1, keepdims=True) + 1e-8)
    sim = jnp.einsum('bnc,bmc->bnm', sn, tn) / TEMPERATURE
    vals, idx = jax.lax.top_k(sim, TOPK)  # [B,N,K]
    gather = jax.vmap(lambda t, i: t[i])
    cand_desc = gather(tgt_descriptor, idx)      # [B,N,K,C]
    cand_canon = gather(tgt_canonical, idx)      # [B,N,K,3]
    cand_pos = gather(tgt_positions, idx)        # [B,N,K,3]
    cand_unc = gather(tgt_uncertainty, idx)      # [B,N,K]
    cand_match = gather(tgt_matchability, idx)   # [B,N,K]
    delta = cand_canon - src_canonical[:, :, None, :]
    dist = jnp.linalg.norm(delta, axis=-1)
    offs = cand_pos - src_positions[:, :, None, :]
    src_desc_e = jnp.broadcast_to(src_descriptor[:, :, None, :], cand_desc.shape)
    su = jnp.broadcast_to(src_uncertainty[:, :, None, None], dist.shape + (1,))
    sm = jnp.broadcast_to(src_matchability[:, :, None, None], dist.shape + (1,))
    feats = jnp.concatenate([
        src_desc_e, cand_desc, vals[..., None], delta, offs, dist[..., None],
        su, cand_unc[..., None], sm, cand_match[..., None]], axis=-1)
    h = jax.nn.gelu(feats @ W1 + b1)
    h = jax.nn.gelu(h @ W2 + b2)
    refined_logit = (h @ Wl + bl)[..., 0]
    offset = jnp.tanh(h @ Wo + bo) * OFFSET_SCALE
    logits = vals + refined_logit
    probs = jax.nn.softmax(logits, axis=-1)
    refined_pos = cand_pos + offset
    expected = jnp.einsum('bnk,bnkd->bnd', probs, refined_pos)
    raw_disp = jnp.transpose(expected - src_positions, (0, 2, 1)).reshape(B, 3, *SPATIAL)
    raw_disp = jnp.nan_to_num(raw_disp, nan=0.0, posinf=0.0, neginf=0.0)
    top2 = jax.lax.top_k(probs, 2)[0]
    top1 = top2[..., 0]
    margin = top1 - top2[..., 1]
    best = jnp.argmax(probs, axis=-1)
    best_tgt_match = jnp.take_along_axis(cand_match, best[..., None], axis=-1)[..., 0]
    confidence = top1 * jnp.sqrt(jnp.maximum(src_matchability * best_tgt_match, 1e-6))
    entropy = -jnp.sum(probs * jnp.log(probs + 1e-12), axis=-1)
    confidence = confidence.reshape(B, 1, *SPATIAL)
    margin = jnp.nan_to_num(margin, nan=0.0, posinf=0.0, neginf=0.0).reshape(B, 1, *SPATIAL)
    entropy = jnp.nan_to_num(entropy, nan=0.0, posinf=0.0, neginf=0.0).reshape(B, 1, *SPATIAL)
    probs = jnp.nan_to_num(probs, nan=0.0, posinf=0.0, neginf=0.0)
    return (expected, raw_disp, probs, confidence, margin, entropy)

if __name__ == "__main__":
    import jax
    _d = setup_inputs()
    print(jax.jit(kernel)(*tuple(_d.values())))

</pallas_src>

<mosaic_0001>
#map = affine_map<(d0, d1) -> (0, 0)>
module attributes {stable_mosaic.version = 14 : i64} {
  func.func @gk(%arg0: i32, %arg1: i32, %arg2: memref<8192x256xf32, #tpu.memory_space<hbm>>, %arg3: memref<1024x128xi32, #tpu.memory_space<hbm>>, %arg4: memref<131072x256xf32, #tpu.memory_space<hbm>>, %arg5: memref<32x128xi32, #tpu.memory_space<vmem>>, %arg6: memref<128x256xf32, #tpu.memory_space<vmem>>, %arg7: memref<!tpu.dma_semaphore, #tpu.memory_space<semaphore_mem>>) attributes {dimension_semantics = [#tpu.dimension_semantics<core_parallel>, #tpu.dimension_semantics<subcore_parallel>], iteration_bounds = array<i64: 2, 16>, scalar_prefetch = 0 : i64, scratch_operands = 3 : i64, tpu.core_type = #tpu.core_type<sc_vector_subcore>, window_params = [{transform_indices = #map}, {transform_indices = #map}, {transform_indices = #map}]} {
    %mul3A = arith.constant 2 : i32
    %mul3A_0 = arith.muli %arg1, %mul3A : i32
    %add3A = arith.addi %mul3A_0, %arg0 : i32
    %mul3A_1 = arith.constant 32 : i32
    %mul3A_2 = arith.muli %add3A, %mul3A_1 : i32
    "tpu.region"() ({
      %run_scoped3A = tpu.sem_alloc : memref<!tpu.dma_semaphore, #tpu.memory_space<semaphore_mem>>
      %dma_start3A = arith.constant 0 : i32
      %dma_start3A_8 = tpu.memref_slice %arg3[%mul3A_2, %dma_start3A] : memref<1024x128xi32, #tpu.memory_space<hbm>> -> memref<32x128xi32, #tpu.memory_space<hbm>>
      %dma_start3A_9 = arith.constant 0 : i32
      %dma_start3A_10 = tpu.memref_slice %arg3[%mul3A_2, %dma_start3A_9] : memref<1024x128xi32, #tpu.memory_space<hbm>> -> memref<32x128xi32, #tpu.memory_space<hbm>>
      tpu.enqueue_dma source(%dma_start3A_10 : memref<32x128xi32, #tpu.memory_space<hbm>>) target(%arg5 : memref<32x128xi32, #tpu.memory_space<vmem>>) target_semaphore(%run_scoped3A : memref<!tpu.dma_semaphore, #tpu.memory_space<semaphore_mem>>)
      %dma_wait3A = arith.constant 0 : i32
      %dma_wait3A_11 = tpu.memref_slice %arg3[%mul3A_2, %dma_wait3A] : memref<1024x128xi32, #tpu.memory_space<hbm>> -> memref<32x128xi32, #tpu.memory_space<hbm>>
      %dma_wait3A_12 = arith.constant 0 : i32
      %dma_wait3A_13 = tpu.memref_slice %arg3[%mul3A_2, %dma_wait3A_12] : memref<1024x128xi32, #tpu.memory_space<hbm>> -> memref<32x128xi32, #tpu.memory_space<hbm>>
      tpu.wait_dma2 semaphore(%run_scoped3A : memref<!tpu.dma_semaphore, #tpu.memory_space<semaphore_mem>>) src(%dma_wait3A_13 : memref<32x128xi32, #tpu.memory_space<hbm>>) dst(%arg5 : memref<32x128xi32, #tpu.memory_space<vmem>>)
      tpu.yield
    }) : () -> ()
    %scan3A = arith.constant 0 : i32
    %scan3A_3 = arith.constant 0 : i32
    %scan3A_4 = arith.constant 32 : i32
    %scan3A_5 = arith.addi %scan3A_3, %scan3A_4 : i32
    %scan3A_6 = arith.constant 1 : i32
    scf.for %scan3A_8 = %scan3A_3 to %scan3A_5 step %scan3A_6  : i32 {
      %dma_start3A = arith.constant 0 : i32
      %dma_start3A_9 = tpu.memref_slice %arg5[%scan3A_8, %dma_start3A] : memref<32x128xi32, #tpu.memory_space<vmem>> -> memref<1x128xi32, #tpu.memory_space<vmem>>
      %dma_start3A_10 = tpu.memref_squeeze %dma_start3A_9 : memref<1x128xi32, #tpu.memory_space<vmem>> -> memref<128xi32, #tpu.memory_space<vmem>>
      %dma_start3A_11 = arith.constant 0 : i32
      %dma_start3A_12 = arith.constant 0 : i32
      %dma_start3A_13 = tpu.memref_slice %arg2[%dma_start3A_11, %dma_start3A_12] : memref<8192x256xf32, #tpu.memory_space<hbm>> -> memref<8192x256xf32, #tpu.memory_space<hbm>>
      tpu.enqueue_indirect_dma source(%dma_start3A_13 : memref<8192x256xf32, #tpu.memory_space<hbm>>) target(%arg6 : memref<128x256xf32, #tpu.memory_space<vmem>>) offsets(%dma_start3A_10 : memref<128xi32, #tpu.memory_space<vmem>>) semaphore(%arg7 : memref<!tpu.dma_semaphore, #tpu.memory_space<semaphore_mem>>)
      %dma_wait3A = arith.constant 0 : i32
      %dma_wait3A_14 = tpu.memref_slice %arg5[%scan3A_8, %dma_wait3A] : memref<32x128xi32, #tpu.memory_space<vmem>> -> memref<1x128xi32, #tpu.memory_space<vmem>>
      %dma_wait3A_15 = tpu.memref_squeeze %dma_wait3A_14 : memref<1x128xi32, #tpu.memory_space<vmem>> -> memref<128xi32, #tpu.memory_space<vmem>>
      %dma_wait3A_16 = arith.constant 0 : i32
      %dma_wait3A_17 = arith.constant 0 : i32
      %dma_wait3A_18 = tpu.memref_slice %arg2[%dma_wait3A_16, %dma_wait3A_17] : memref<8192x256xf32, #tpu.memory_space<hbm>> -> memref<8192x256xf32, #tpu.memory_space<hbm>>
      tpu.wait_indirect_dma semaphore(%arg7 : memref<!tpu.dma_semaphore, #tpu.memory_space<semaphore_mem>>) src(%dma_wait3A_18 : memref<8192x256xf32, #tpu.memory_space<hbm>>) dst(%arg6 : memref<128x256xf32, #tpu.memory_space<vmem>>)
      %mul3A_19 = arith.constant 4096 : i32
      %mul3A_20 = arith.muli %add3A, %mul3A_19 : i32
      %mul3A_21 = arith.constant 128 : i32
      %mul3A_22 = arith.muli %scan3A_8, %mul3A_21 : i32
      %add3A_23 = arith.addi %mul3A_20, %mul3A_22 : i32
      "tpu.region"() ({
        %run_scoped3A = tpu.sem_alloc : memref<!tpu.dma_semaphore, #tpu.memory_space<semaphore_mem>>
        %dma_start3A_24 = arith.constant 0 : i32
        %dma_start3A_25 = tpu.memref_slice %arg4[%add3A_23, %dma_start3A_24] : memref<131072x256xf32, #tpu.memory_space<hbm>> -> memref<128x256xf32, #tpu.memory_space<hbm>>
        %dma_start3A_26 = arith.constant 0 : i32
        %dma_start3A_27 = tpu.memref_slice %arg4[%add3A_23, %dma_start3A_26] : memref<131072x256xf32, #tpu.memory_space<hbm>> -> memref<128x256xf32, #tpu.memory_space<hbm>>
        tpu.enqueue_dma source(%arg6 : memref<128x256xf32, #tpu.memory_space<vmem>>) target(%dma_start3A_27 : memref<128x256xf32, #tpu.memory_space<hbm>>) target_semaphore(%run_scoped3A : memref<!tpu.dma_semaphore, #tpu.memory_space<semaphore_mem>>)
        %dma_wait3A_28 = arith.constant 0 : i32
        %dma_wait3A_29 = tpu.memref_slice %arg4[%add3A_23, %dma_wait3A_28] : memref<131072x256xf32, #tpu.memory_space<hbm>> -> memref<128x256xf32, #tpu.memory_space<hbm>>
        %dma_wait3A_30 = arith.constant 0 : i32
        %dma_wait3A_31 = tpu.memref_slice %arg4[%add3A_23, %dma_wait3A_30] : memref<131072x256xf32, #tpu.memory_space<hbm>> -> memref<128x256xf32, #tpu.memory_space<hbm>>
        tpu.wait_dma2 semaphore(%run_scoped3A : memref<!tpu.dma_semaphore, #tpu.memory_space<semaphore_mem>>) src(%arg6 : memref<128x256xf32, #tpu.memory_space<vmem>>) dst(%dma_wait3A_31 : memref<128x256xf32, #tpu.memory_space<hbm>>)
        tpu.yield
      }) : () -> ()
    }
    %scan3A_7 = arith.constant 32 : i32
    return
  }
}

module attributes {stable_mosaic.version = 14 : i64} {
  func.func @_norm_proj_body(%arg0: i32, %arg1: memref<1x4096x128xf32, #tpu.memory_space<vmem>>, %arg2: memref<128x128xf32, #tpu.memory_space<vmem>>, %arg3: memref<1x4096x8xf32, #tpu.memory_space<vmem>>, %arg4: memref<8x128xf32, #tpu.memory_space<vmem>>, %arg5: memref<1x4096x128xf32, #tpu.memory_space<vmem>>, %arg6: memref<1x4096x128xf32, #tpu.memory_space<vmem>>) attributes {dimension_semantics = [#tpu.dimension_semantics<arbitrary>], iteration_bounds = array<i64: 2>, scalar_prefetch = 0 : i64, scratch_operands = 0 : i64, tpu.core_type = #tpu.core_type<tc>, window_params = [{transform_indices = @transform_0, window_bounds = array<i64: 1, 4096, 128>}, {pipeline_mode = #tpu.pipeline_mode<synchronous>, transform_indices = @transform_1, window_bounds = array<i64: 128, 128>}, {transform_indices = @transform_2, window_bounds = array<i64: 1, 4096, 8>}, {pipeline_mode = #tpu.pipeline_mode<synchronous>, transform_indices = @transform_3, window_bounds = array<i64: 8, 128>}, {transform_indices = @transform_4, window_bounds = array<i64: 1, 4096, 128>}, {transform_indices = @transform_5, window_bounds = array<i64: 1, 4096, 128>}]} {
    %get3A = arith.constant 0 : index
    %get3A_0 = arith.constant 0 : index
    %get3A_1 = arith.constant 0 : index
    %get3A_2 = vector.load %arg1[%get3A, %get3A_0, %get3A_1] : memref<1x4096x128xf32, #tpu.memory_space<vmem>>, vector<1x4096x128xf32>
    %get3A_3 = vector.shape_cast %get3A_2 : vector<1x4096x128xf32> to vector<4096x128xf32>
    %mul3A = arith.mulf %get3A_3, %get3A_3 : vector<4096x128xf32>
    %reduce_sum3A = arith.constant dense<0.000000e+00> : vector<4096xf32>
    %reduce_sum3A_4 = vector.multi_reduction <add>, %mul3A, %reduce_sum3A [1] : vector<4096x128xf32> to vector<4096xf32>
    %broadcast_in_dim3A = vector.shape_cast %reduce_sum3A_4 : vector<4096xf32> to vector<4096x1xf32>
    %sqrt3A = math.sqrt %broadcast_in_dim3A : vector<4096x1xf32>
    %add3A = arith.constant 9.99999993E-9 : f32
    %add3A_5 = vector.broadcast %add3A : f32 to vector<4096x1xf32>
    %add3A_6 = arith.addf %sqrt3A, %add3A_5 : vector<4096x1xf32>
    %div3A = vector.broadcast %add3A_6 : vector<4096x1xf32> to vector<4096x128xf32>
    %div3A_7 = arith.divf %get3A_3, %div3A : vector<4096x128xf32>
    %swap3A = arith.constant 0 : index
    %swap3A_8 = arith.constant 0 : index
    %swap3A_9 = arith.constant 0 : index
    %swap3A_10 = vector.load %arg5[%swap3A, %swap3A_8, %swap3A_9] : memref<1x4096x128xf32, #tpu.memory_space<vmem>>, vector<1x4096x128xf32>
    %swap3A_11 = vector.shape_cast %swap3A_10 : vector<1x4096x128xf32> to vector<4096x128xf32>
    %swap3A_12 = vector.shape_cast %div3A_7 : vector<4096x128xf32> to vector<1x4096x128xf32>
    tpu.vector_store %arg5[%swap3A, %swap3A_8, %swap3A_9], %swap3A_12 {strides = array<i32>} : memref<1x4096x128xf32, #tpu.memory_space<vmem>>, vector<1x4096x128xf32>,
    %get3A_13 = arith.constant 0 : index
    %get3A_14 = arith.constant 0 : index
    %get3A_15 = vector.load %arg2[%get3A_13, %get3A_14] : memref<128x128xf32, #tpu.memory_space<vmem>>, vector<128x128xf32>
    %dot_general3A = arith.constant dense<0.000000e+00> : vector<4096x128xf32>
    %dot_general3A_16 = tpu.matmul %get3A_3, %get3A_15, %dot_general3A {dimension_numbers = #tpu.dot_dimension_numbers<[1], [0], [0], [1], [0, 0, 1, 1], [], []>, transpose_lhs_hint = false} : vector<4096x128xf32>, vector<128x128xf32>, vector<4096x128xf32> -> vector<4096x128xf32>
    %get3A_17 = arith.constant 0 : index
    %get3A_18 = arith.constant 0 : index
    %get3A_19 = arith.constant 0 : index
    %get3A_20 = vector.load %arg3[%get3A_17, %get3A_18, %get3A_19] : memref<1x4096x8xf32, #tpu.memory_space<vmem>>, vector<1x4096x8xf32>
    %get3A_21 = vector.shape_cast %get3A_20 : vector<1x4096x8xf32> to vector<4096x8xf32>
    %get3A_22 = arith.constant 0 : index
    %get3A_23 = arith.constant 0 : index
    %get3A_24 = vector.load %arg4[%get3A_22, %get3A_23] : memref<8x128xf32, #tpu.memory_space<vmem>>, vector<8x128xf32>
    %dot_general3A_25 = arith.constant dense<0.000000e+00> : vector<4096x128xf32>
    %dot_general3A_26 = tpu.matmul %get3A_21, %get3A_24, %dot_general3A_25 {dimension_numbers = #tpu.dot_dimension_numbers<[1], [0], [0], [1], [0, 0, 1, 1], [], []>, transpose_lhs_hint = false} : vector<4096x8xf32>, vector<8x128xf32>, vector<4096x128xf32> -> vector<4096x128xf32>
    %add3A_27 = arith.addf %dot_general3A_16, %dot_general3A_26 : vector<4096x128xf32>
    %swap3A_28 = arith.constant 0 : index
    %swap3A_29 = arith.constant 0 : index
    %swap3A_30 = arith.constant 0 : index
    %swap3A_31 = vector.load %arg6[%swap3A_28, %swap3A_29, %swap3A_30] : memref<1x4096x128xf32, #tpu.memory_space<vmem>>, vector<1x4096x128xf32>
    %swap3A_32 = vector.shape_cast %swap3A_31 : vector<1x4096x128xf32> to vector<4096x128xf32>
    %swap3A_33 = vector.shape_cast %add3A_27 : vector<4096x128xf32> to vector<1x4096x128xf32>
    tpu.vector_store %arg6[%swap3A_28, %swap3A_29, %swap3A_30], %swap3A_33 {strides = array<i32>} : memref<1x4096x128xf32, #tpu.memory_space<vmem>>, vector<1x4096x128xf32>,
    return
  }
  func.func @transform_0(%arg0: i32) -> (i32, i32, i32) {
    %c0_i32 = arith.constant 0 : i32
    %c0_i32_0 = arith.constant 0 : i32
    %c0_i32_1 = arith.constant 0 : i32
    return %arg0, %c0_i32, %c0_i32_0 : i32, i32, i32
  }
  func.func @transform_1(%arg0: i32) -> (i32, i32) {
    %c0_i32 = arith.constant 0 : i32
    %c0_i32_0 = arith.constant 0 : i32
    %c0_i32_1 = arith.constant 0 : i32
    return %c0_i32, %c0_i32_0 : i32, i32
  }
  func.func @transform_2(%arg0: i32) -> (i32, i32, i32) {
    %c0_i32 = arith.constant 0 : i32
    %c0_i32_0 = arith.constant 0 : i32
    %c0_i32_1 = arith.constant 0 : i32
    return %arg0, %c0_i32, %c0_i32_0 : i32, i32, i32
  }
  func.func @transform_3(%arg0: i32) -> (i32, i32) {
    %c0_i32 = arith.constant 0 : i32
    %c0_i32_0 = arith.constant 0 : i32
    %c0_i32_1 = arith.constant 0 : i32
    return %c0_i32, %c0_i32_0 : i32, i32
  }
  func.func @transform_4(%arg0: i32) -> (i32, i32, i32) {
    %c0_i32 = arith.constant 0 : i32
    %c0_i32_0 = arith.constant 0 : i32
    %c0_i32_1 = arith.constant 0 : i32
    return %arg0, %c0_i32, %c0_i32_0 : i32, i32, i32
  }
  func.func @transform_5(%arg0: i32) -> (i32, i32, i32) {
    %c0_i32 = arith.constant 0 : i32
    %c0_i32_0 = arith.constant 0 : i32
    %c0_i32_1 = arith.constant 0 : i32
    return %arg0, %c0_i32, %c0_i32_0 : i32, i32, i32
  }
}

module attributes {stable_mosaic.version = 14 : i64} {
  func.func @_simtopk_body(%arg0: i32, %arg1: i32, %arg2: memref<1x256x128xf32, #tpu.memory_space<vmem>>, %arg3: memref<1x4096x128xf32, #tpu.memory_space<vmem>>, %arg4: memref<1x256x16xf32, #tpu.memory_space<vmem>>, %arg5: memref<1x256x16xi32, #tpu.memory_space<vmem>>) attributes {dimension_semantics = [#tpu.dimension_semantics<arbitrary>, #tpu.dimension_semantics<arbitrary>], iteration_bounds = array<i64: 2, 16>, scalar_prefetch = 0 : i64, scratch_operands = 0 : i64, tpu.core_type = #tpu.core_type<tc>, window_params = [{transform_indices = @transform_0, window_bounds = array<i64: 1, 256, 128>}, {transform_indices = @transform_1, window_bounds = array<i64: 1, 4096, 128>}, {transform_indices = @transform_2, window_bounds = array<i64: 1, 256, 16>}, {transform_indices = @transform_3, window_bounds = array<i64: 1, 256, 16>}]} {
    %get3A = arith.constant 0 : index
    %get3A_0 = arith.constant 0 : index
    %get3A_1 = arith.constant 0 : index
    %get3A_2 = vector.load %arg2[%get3A, %get3A_0, %get3A_1] : memref<1x256x128xf32, #tpu.memory_space<vmem>>, vector<1x256x128xf32>
    %get3A_3 = vector.shape_cast %get3A_2 : vector<1x256x128xf32> to vector<256x128xf32>
    %mul3A = arith.mulf %get3A_3, %get3A_3 : vector<256x128xf32>
    %reduce_sum3A = arith.constant dense<0.000000e+00> : vector<256xf32>
    %reduce_sum3A_4 = vector.multi_reduction <add>, %mul3A, %reduce_sum3A [1] : vector<256x128xf32> to vector<256xf32>
    %broadcast_in_dim3A = vector.shape_cast %reduce_sum3A_4 : vector<256xf32> to vector<256x1xf32>
    %sqrt3A = math.sqrt %broadcast_in_dim3A : vector<256x1xf32>
    %add3A = arith.constant 9.99999993E-9 : f32
    %add3A_5 = vector.broadcast %add3A : f32 to vector<256x1xf32>
    %add3A_6 = arith.addf %sqrt3A, %add3A_5 : vector<256x1xf32>
    %div3A = vector.broadcast %add3A_6 : vector<256x1xf32> to vector<256x128xf32>
    %div3A_7 = arith.divf %get3A_3, %div3A : vector<256x128xf32>
    %get3A_8 = arith.constant 0 : index
    %get3A_9 = arith.constant 0 : index
    %get3A_10 = arith.constant 0 : index
    %get3A_11 = vector.load %arg3[%get3A_8, %get3A_9, %get3A_10] : memref<1x4096x128xf32, #tpu.memory_space<vmem>>, vector<1x4096x128xf32>
    %get3A_12 = vector.shape_cast %get3A_11 : vector<1x4096x128xf32> to vector<4096x128xf32>
    %dot_general3A = arith.constant dense<0.000000e+00> : vector<256x4096xf32>
    %dot_general3A_13 = tpu.matmul %div3A_7, %get3A_12, %dot_general3A {dimension_numbers = #tpu.dot_dimension_numbers<[1], [1], [0], [0], [0, 0, 1, 0], [], []>, transpose_lhs_hint = false} : vector<256x128xf32>, vector<4096x128xf32>, vector<256x4096xf32> -> vector<256x4096xf32>
    %div3A_14 = arith.constant 7.000000e-02 : f32
    %div3A_15 = vector.broadcast %div3A_14 : f32 to vector<256x4096xf32>
    %div3A_16 = arith.divf %dot_general3A_13, %div3A_15 : vector<256x4096xf32>
    %iota3A = tpu.iota {dimensions = array<i32: 1>} : vector<256x4096xi32>
    %iota3A_17 = tpu.iota {dimensions = array<i32: 1>} : vector<256x16xi32>
    %broadcast_in_dim3A_18 = arith.constant 0.000000e+00 : f32
    %broadcast_in_dim3A_19 = vector.broadcast %broadcast_in_dim3A_18 : f32 to vector<256x16xf32>
    %broadcast_in_dim3A_20 = arith.constant 0 : i32
    %broadcast_in_dim3A_21 = vector.broadcast %broadcast_in_dim3A_20 : i32 to vector<256x16xi32>
    %reduce_max3A = arith.constant dense<0xFF800000> : vector<256xf32>
    %reduce_max3A_22 = vector.multi_reduction <maximumf>, %div3A_16, %reduce_max3A [1] : vector<256x4096xf32> to vector<256xf32>
    %broadcast_in_dim3A_23 = vector.shape_cast %reduce_max3A_22 : vector<256xf32> to vector<256x1xf32>
    %eq3A = vector.broadcast %broadcast_in_dim3A_23 : vector<256x1xf32> to vector<256x4096xf32>
    %eq3A_24 = arith.cmpf oeq, %div3A_16, %eq3A : vector<256x4096xf32>
    %jit3A = arith.constant 4096 : i32
    %broadcast_in_dim3A_25 = vector.broadcast %jit3A : i32 to vector<256x4096xi32>
    %select_n3A = arith.select %eq3A_24, %iota3A, %broadcast_in_dim3A_25 : vector<256x4096xi1>, vector<256x4096xi32>
    %reduce_min3A = arith.constant dense<2147483647> : vector<256xi32>
    %reduce_min3A_26 = vector.multi_reduction <minsi>, %select_n3A, %reduce_min3A [1] : vector<256x4096xi32> to vector<256xi32>
    %eq3A_27 = arith.constant 0 : i32
    %eq3A_28 = vector.broadcast %eq3A_27 : i32 to vector<256x16xi32>
    %eq3A_29 = arith.cmpi eq, %iota3A_17, %eq3A_28 : vector<256x16xi32>
    %broadcast_in_dim3A_30 = vector.shape_cast %reduce_max3A_22 : vector<256xf32> to vector<256x1xf32>
    %broadcast_in_dim3A_31 = vector.shape_cast %broadcast_in_dim3A_30 : vector<256x1xf32> to vector<256x1xf32>
    %broadcast_in_dim3A_32 = vector.broadcast %broadcast_in_dim3A_31 : vector<256x1xf32> to vector<256x16xf32>
    %select_n3A_33 = arith.select %eq3A_29, %broadcast_in_dim3A_32, %broadcast_in_dim3A_19 : vector<256x16xi1>, vector<256x16xf32>
    %eq3A_34 = arith.constant 0 : i32
    %eq3A_35 = vector.broadcast %eq3A_34 : i32 to vector<256x16xi32>
    %eq3A_36 = arith.cmpi eq, %iota3A_17, %eq3A_35 : vector<256x16xi32>
    %broadcast_in_dim3A_37 = vector.shape_cast %reduce_min3A_26 : vector<256xi32> to vector<256x1xi32>
    %broadcast_in_dim3A_38 = vector.shape_cast %broadcast_in_dim3A_37 : vector<256x1xi32> to vector<256x1xi32>
    %broadcast_in_dim3A_39 = vector.broadcast %broadcast_in_dim3A_38 : vector<256x1xi32> to vector<256x16xi32>
    %select_n3A_40 = arith.select %eq3A_36, %broadcast_in_dim3A_39, %broadcast_in_dim3A_21 : vector<256x16xi1>, vector<256x16xi32>
    %broadcast_in_dim3A_41 = vector.shape_cast %reduce_min3A_26 : vector<256xi32> to vector<256x1xi32>
    %eq3A_42 = vector.broadcast %broadcast_in_dim3A_41 : vector<256x1xi32> to vector<256x4096xi32>
    %eq3A_43 = arith.cmpi eq, %iota3A, %eq3A_42 : vector<256x4096xi32>
    %jit3A_44 = arith.constant -1.000000e+30 : f32
    %broadcast_in_dim3A_45 = vector.broadcast %jit3A_44 : f32 to vector<256x4096xf32>
    %select_n3A_46 = arith.select %eq3A_43, %broadcast_in_dim3A_45, %div3A_16 : vector<256x4096xi1>, vector<256x4096xf32>
    %reduce_max3A_47 = arith.constant dense<0xFF800000> : vector<256xf32>
    %reduce_max3A_48 = vector.multi_reduction <maximumf>, %select_n3A_46, %reduce_max3A_47 [1] : vector<256x4096xf32> to vector<256xf32>
    %broadcast_in_dim3A_49 = vector.shape_cast %reduce_max3A_48 : vector<256xf32> to vector<256x1xf32>
    %eq3A_50 = vector.broadcast %broadcast_in_dim3A_49 : vector<256x1xf32> to vector<256x4096xf32>
    %eq3A_51 = arith.cmpf oeq, %select_n3A_46, %eq3A_50 : vector<256x4096xf32>
    %jit3A_52 = arith.constant 4096 : i32
    %broadcast_in_dim3A_53 = vector.broadcast %jit3A_52 : i32 to vector<256x4096xi32>
    %select_n3A_54 = arith.select %eq3A_51, %iota3A, %broadcast_in_dim3A_53 : vector<256x4096xi1>, vector<256x4096xi32>
    %reduce_min3A_55 = arith.constant dense<2147483647> : vector<256xi32>
    %reduce_min3A_56 = vector.multi_reduction <minsi>, %select_n3A_54, %reduce_min3A_55 [1] : vector<256x4096xi32> to vector<256xi32>
    %eq3A_57 = arith.constant 1 : i32
    %eq3A_58 = vector.broadcast %eq3A_57 : i32 to vector<256x16xi32>
    %eq3A_59 = arith.cmpi eq, %iota3A_17, %eq3A_58 : vector<256x16xi32>
    %broadcast_in_dim3A_60 = vector.shape_cast %reduce_max3A_48 : vector<256xf32> to vector<256x1xf32>
    %broadcast_in_dim3A_61 = vector.shape_cast %broadcast_in_dim3A_60 : vector<256x1xf32> to vector<256x1xf32>
    %broadcast_in_dim3A_62 = vector.broadcast %broadcast_in_dim3A_61 : vector<256x1xf32> to vector<256x16xf32>
    %select_n3A_63 = arith.select %eq3A_59, %broadcast_in_dim3A_62, %select_n3A_33 : vector<256x16xi1>, vector<256x16xf32>
    %eq3A_64 = arith.constant 1 : i32
    %eq3A_65 = vector.broadcast %eq3A_64 : i32 to vector<256x16xi32>
    %eq3A_66 = arith.cmpi eq, %iota3A_17, %eq3A_65 : vector<256x16xi32>
    %broadcast_in_dim3A_67 = vector.shape_cast %reduce_min3A_56 : vector<256xi32> to vector<256x1xi32>
    %broadcast_in_dim3A_68 = vector.shape_cast %broadcast_in_dim3A_67 : vector<256x1xi32> to vector<256x1xi32>
    %broadcast_in_dim3A_69 = vector.broadcast %broadcast_in_dim3A_68 : vector<256x1xi32> to vector<256x16xi32>
    %select_n3A_70 = arith.select %eq3A_66, %broadcast_in_dim3A_69, %select_n3A_40 : vector<256x16xi1>, vector<256x16xi32>
    %broadcast_in_dim3A_71 = vector.shape_cast %reduce_min3A_56 : vector<256xi32> to vector<256x1xi32>
    %eq3A_72 = vector.broadcast %broadcast_in_dim3A_71 : vector<256x1xi32> to vector<256x4096xi32>
    %eq3A_73 = arith.cmpi eq, %iota3A, %eq3A_72 : vector<256x4096xi32>
    %jit3A_74 = arith.constant -1.000000e+30 : f32
    %broadcast_in_dim3A_75 = vector.broadcast %jit3A_74 : f32 to vector<256x4096xf32>
    %select_n3A_76 = arith.select %eq3A_73, %broadcast_in_dim3A_75, %select_n3A_46 : vector<256x4096xi1>, vector<256x4096xf32>
    %reduce_max3A_77 = arith.constant dense<0xFF800000> : vector<256xf32>
    %reduce_max3A_78 = vector.multi_reduction <maximumf>, %select_n3A_76, %reduce_max3A_77 [1] : vector<256x4096xf32> to vector<256xf32>
    %broadcast_in_dim3A_79 = vector.shape_cast %reduce_max3A_78 : vector<256xf32> to vector<256x1xf32>
    %eq3A_80 = vector.broadcast %broadcast_in_dim3A_79 : vector<256x1xf32> to vector<256x4096xf32>
    %eq3A_81 = arith.cmpf oeq, %select_n3A_76, %eq3A_80 : vector<256x4096xf32>
    %jit3A_82 = arith.constant 4096 : i32
    %broadcast_in_dim3A_83 = vector.broadcast %jit3A_82 : i32 to vector<256x4096xi32>
    %select_n3A_84 = arith.select %eq3A_81, %iota3A, %broadcast_in_dim3A_83 : vector<256x4096xi1>, vector<256x4096xi32>
    %reduce_min3A_85 = arith.constant dense<2147483647> : vector<256xi32>
    %reduce_min3A_86 = vector.multi_reduction <minsi>, %select_n3A_84, %reduce_min3A_85 [1] : vector<256x4096xi32> to vector<256xi32>
    %eq3A_87 = arith.constant 2 : i32
    %eq3A_88 = vector.broadcast %eq3A_87 : i32 to vector<256x16xi32>
    %eq3A_89 = arith.cmpi eq, %iota3A_17, %eq3A_88 : vector<256x16xi32>
    %broadcast_in_dim3A_90 = vector.shape_cast %reduce_max3A_78 : vector<256xf32> to vector<256x1xf32>
    %broadcast_in_dim3A_91 = vector.shape_cast %broadcast_in_dim3A_90 : vector<256x1xf32> to vector<256x1xf32>
    %broadcast_in_dim3A_92 = vector.broadcast %broadcast_in_dim3A_91 : vector<256x1xf32> to vector<256x16xf32>
    %select_n3A_93 = arith.select %eq3A_89, %broadcast_in_dim3A_92, %select_n3A_63 : vector<256x16xi1>, vector<256x16xf32>
    %eq3A_94 = arith.constant 2 : i32
    %eq3A_95 = vector.broadcast %eq3A_94 : i32 to vector<256x16xi32>
    %eq3A_96 = arith.cmpi eq, %iota3A_17, %eq3A_95 : vector<256x16xi32>
    %broadcast_in_dim3A_97 = vector.shape_cast %reduce_min3A_86 : vector<256xi32> to vector<256x1xi32>
    %broadcast_in_dim3A_98 = vector.shape_cast %broadcast_in_dim3A_97 : vector<256x1xi32> to vector<256x1xi32>
    %broadcast_in_dim3A_99 = vector.broadcast %broadcast_in_dim3A_98 : vector<256x1xi32> to vector<256x16xi32>
    %select_n3A_100 = arith.select %eq3A_96, %broadcast_in_dim3A_99, %select_n3A_70 : vector<256x16xi1>, vector<256x16xi32>
    %broadcast_in_dim3A_101 = vector.shape_cast %reduce_min3A_86 : vector<256xi32> to vector<256x1xi32>
    %eq3A_102 = vector.broadcast %broadcast_in_dim3A_101 : vector<256x1xi32> to vector<256x4096xi32>
    %eq3A_103 = arith.cmpi eq, %iota3A, %eq3A_102 : vector<256x4096xi32>
    %jit3A_104 = arith.constant -1.000000e+30 : f32
    %broadcast_in_dim3A_105 = vector.broadcast %jit3A_104 : f32 to vector<256x4096xf32>
    %select_n3A_106 = arith.select %eq3A_103, %broadcast_in_dim3A_105, %select_n3A_76 : vector<256x4096xi1>, vector<256x4096xf32>
    %reduce_max3A_107 = arith.constant dense<0xFF800000> : vector<256xf32>
    %reduce_max3A_108 = vector.multi_reduction <maximumf>, %select_n3A_106, %reduce_max3A_107 [1] : vector<256x4096xf32> to vector<256xf32>
    %broadcast_in_dim3A_109 = vector.shape_cast %reduce_max3A_108 : vector<256xf32> to vector<256x1xf32>
    %eq3A_110 = vector.broadcast %broadcast_in_dim3A_109 : vector<256x1xf32> to vector<256x4096xf32>
    %eq3A_111 = arith.cmpf oeq, %select_n3A_106, %eq3A_110 : vector<256x4096xf32>
    %jit3A_112 = arith.constant 4096 : i32
    %broadcast_in_dim3A_113 = vector.broadcast %jit3A_112 : i32 to vector<256x4096xi32>
    %select_n3A_114 = arith.select %eq3A_111, %iota3A, %broadcast_in_dim3A_113 : vector<256x4096xi1>, vector<256x4096xi32>
    %reduce_min3A_115 = arith.constant dense<2147483647> : vector<256xi32>
    %reduce_min3A_116 = vector.multi_reduction <minsi>, %select_n3A_114, %reduce_min3A_115 [1] : vector<256x4096xi32> to vector<256xi32>
    %eq3A_117 = arith.constant 3 : i32
    %eq3A_118 = vector.broadcast %eq3A_117 : i32 to vector<256x16xi32>
    %eq3A_119 = arith.cmpi eq, %iota3A_17, %eq3A_118 : vector<256x16xi32>
    %broadcast_in_dim3A_120 = vector.shape_cast %reduce_max3A_108 : vector<256xf32> to vector<256x1xf32>
    %broadcast_in_dim3A_121 = vector.shape_cast %broadcast_in_dim3A_120 : vector<256x1xf32> to vector<256x1xf32>
    %broadcast_in_dim3A_122 = vector.broadcast %broadcast_in_dim3A_121 : vector<256x1xf32> to vector<256x16xf32>
    %select_n3A_123 = arith.select %eq3A_119, %broadcast_in_dim3A_122, %select_n3A_93 : vector<256x16xi1>, vector<256x16xf32>
    %eq3A_124 = arith.constant 3 : i32
    %eq3A_125 = vector.broadcast %eq3A_124 : i32 to vector<256x16xi32>
    %eq3A_126 = arith.cmpi eq, %iota3A_17, %eq3A_125 : vector<256x16xi32>
    %broadcast_in_dim3A_127 = vector.shape_cast %reduce_min3A_116 : vector<256xi32> to vector<256x1xi32>
    %broadcast_in_dim3A_128 = vector.shape_cast %broadcast_in_dim3A_127 : vector<256x1xi32> to vector<256x1xi32>
    %broadcast_in_dim3A_129 = vector.broadcast %broadcast_in_dim3A_128 : vector<256x1xi32> to vector<256x16xi32>
    %select_n3A_130 = arith.select %eq3A_126, %broadcast_in_dim3A_129, %select_n3A_100 : vector<256x16xi1>, vector<256x16xi32>
    %broadcast_in_dim3A_131 = vector.shape_cast %reduce_min3A_116 : vector<256xi32> to vector<256x1xi32>
    %eq3A_132 = vector.broadcast %broadcast_in_dim3A_131 : vector<256x1xi32> to vector<256x4096xi32>
    %eq3A_133 = arith.cmpi eq, %iota3A, %eq3A_132 : vector<256x4096xi32>
    %jit3A_134 = arith.constant -1.000000e+30 : f32
    %broadcast_in_dim3A_135 = vector.broadcast %jit3A_134 : f32 to vector<256x4096xf32>
    %select_n3A_136 = arith.select %eq3A_133, %broadcast_in_dim3A_135, %select_n3A_106 : vector<256x4096xi1>, vector<256x4096xf32>
    %reduce_max3A_137 = arith.constant dense<0xFF800000> : vector<256xf32>
    %reduce_max3A_138 = vector.multi_reduction <maximumf>, %select_n3A_136, %reduce_max3A_137 [1] : vector<256x4096xf32> to vector<256xf32>
    %broadcast_in_dim3A_139 = vector.shape_cast %reduce_max3A_138 : vector<256xf32> to vector<256x1xf32>
    %eq3A_140 = vector.broadcast %broadcast_in_dim3A_139 : vector<256x1xf32> to vector<256x4096xf32>
    %eq3A_141 = arith.cmpf oeq, %select_n3A_136, %eq3A_140 : vector<256x4096xf32>
    %jit3A_142 = arith.constant 4096 : i32
    %broadcast_in_dim3A_143 = vector.broadcast %jit3A_142 : i32 to vector<256x4096xi32>
    %select_n3A_144 = arith.select %eq3A_141, %iota3A, %broadcast_in_dim3A_143 : vector<256x4096xi1>, vector<256x4096xi32>
    %reduce_min3A_145 = arith.constant dense<2147483647> : vector<256xi32>
    %reduce_min3A_146 = vector.multi_reduction <minsi>, %select_n3A_144, %reduce_min3A_145 [1] : vector<256x4096xi32> to vector<256xi32>
    %eq3A_147 = arith.constant 4 : i32
    %eq3A_148 = vector.broadcast %eq3A_147 : i32 to vector<256x16xi32>
    %eq3A_149 = arith.cmpi eq, %iota3A_17, %eq3A_148 : vector<256x16xi32>
    %broadcast_in_dim3A_150 = vector.shape_cast %reduce_max3A_138 : vector<256xf32> to vector<256x1xf32>
    %broadcast_in_dim3A_151 = vector.shape_cast %broadcast_in_dim3A_150 : vector<256x1xf32> to vector<256x1xf32>
    %broadcast_in_dim3A_152 = vector.broadcast %broadcast_in_dim3A_151 : vector<256x1xf32> to vector<256x16xf32>
    %select_n3A_153 = arith.select %eq3A_149, %broadcast_in_dim3A_152, %select_n3A_123 : vector<256x16xi1>, vector<256x16xf32>
    %eq3A_154 = arith.constant 4 : i32
    %eq3A_155 = vector.broadcast %eq3A_154 : i32 to vector<256x16xi32>
    %eq3A_156 = arith.cmpi eq, %iota3A_17, %eq3A_155 : vector<256x16xi32>
    %broadcast_in_dim3A_157 = vector.shape_cast %reduce_min3A_146 : vector<256xi32> to vector<256x1xi32>
    %broadcast_in_dim3A_158 = vector.shape_cast %broadcast_in_dim3A_157 : vector<256x1xi32> to vector<256x1xi32>
    %broadcast_in_dim3A_159 = vector.broadcast %broadcast_in_dim3A_158 : vector<256x1xi32> to vector<256x16xi32>
    %select_n3A_160 = arith.select %eq3A_156, %broadcast_in_dim3A_159, %select_n3A_130 : vector<256x16xi1>, vector<256x16xi32>
    %broadcast_in_dim3A_161 = vector.shape_cast %reduce_min3A_146 : vector<256xi32> to vector<256x1xi32>
    %eq3A_162 = vector.broadcast %broadcast_in_dim3A_161 : vector<256x1xi32> to vector<256x4096xi32>
    %eq3A_163 = arith.cmpi eq, %iota3A, %eq3A_162 : vector<256x4096xi32>
    %jit3A_164 = arith.constant -1.000000e+30 : f32
    %broadcast_in_dim3A_165 = vector.broadcast %jit3A_164 : f32 to vector<256x4096xf32>
    %select_n3A_166 = arith.select %eq3A_163, %broadcast_in_dim3A_165, %select_n3A_136 : vector<256x4096xi1>, vector<256x4096xf32>
    %reduce_max3A_167 = arith.constant dense<0xFF800000> : vector<256xf32>
    %reduce_max3A_168 = vector.multi_reduction <maximumf>, %select_n3A_166, %reduce_max3A_167 [1] : vector<256x4096xf32> to vector<256xf32>
    %broadcast_in_dim3A_169 = vector.shape_cast %reduce_max3A_168 : vector<256xf32> to vector<256x1xf32>
    %eq3A_170 = vector.broadcast %broadcast_in_dim3A_169 : vector<256x1xf32> to vector<256x4096xf32>
    %eq3A_171 = arith.cmpf oeq, %select_n3A_166, %eq3A_170 : vector<256x4096xf32>
    %jit3A_172 = arith.constant 4096 : i32
    %broadcast_in_dim3A_173 = vector.broadcast %jit3A_172 : i32 to vector<256x4096xi32>
    %select_n3A_174 = arith.select %eq3A_171, %iota3A, %broadcast_in_dim3A_173 : vector<256x4096xi1>, vector<256x4096xi32>
    %reduce_min3A_175 = arith.constant dense<2147483647> : vector<256xi32>
    %reduce_min3A_176 = vector.multi_reduction <minsi>, %select_n3A_174, %reduce_min3A_175 [1] : vector<256x4096xi32> to vector<256xi32>
    %eq3A_177 = arith.constant 5 : i32
    %eq3A_178 = vector.broadcast %eq3A_177 : i32 to vector<256x16xi32>
    %eq3A_179 = arith.cmpi eq, %iota3A_17, %eq3A_178 : vector<256x16xi32>
    %broadcast_in_dim3A_180 = vector.shape_cast %reduce_max3A_168 : vector<256xf32> to vector<256x1xf32>
    %broadcast_in_dim3A_181 = vector.shape_cast %broadcast_in_dim3A_180 : vector<256x1xf32> to vector<256x1xf32>
    %broadcast_in_dim3A_182 = vector.broadcast %broadcast_in_dim3A_181 : vector<256x1xf32> to vector<256x16xf32>
    %select_n3A_183 = arith.select %eq3A_179, %broadcast_in_dim3A_182, %select_n3A_153 : vector<256x16xi1>, vector<256x16xf32>
    %eq3A_184 = arith.constant 5 : i32
    %eq3A_185 = vector.broadcast %eq3A_184 : i32 to vector<256x16xi32>
    %eq3A_186 = arith.cmpi eq, %iota3A_17, %eq3A_185 : vector<256x16xi32>
    %broadcast_in_dim3A_187 = vector.shape_cast %reduce_min3A_176 : vector<256xi32> to vector<256x1xi32>
    %broadcast_in_dim3A_188 = vector.shape_cast %broadcast_in_dim3A_187 : vector<256x1xi32> to vector<256x1xi32>
    %broadcast_in_dim3A_189 = vector.broadcast %broadcast_in_dim3A_188 : vector<256x1xi32> to vector<256x16xi32>
    %select_n3A_190 = arith.select %eq3A_186, %broadcast_in_dim3A_189, %select_n3A_160 : vector<256x16xi1>, vector<256x16xi32>
    %broadcast_in_dim3A_191 = vector.shape_cast %reduce_min3A_176 : vector<256xi32> to vector<256x1xi32>
    %eq3A_192 = vector.broadcast %broadcast_in_dim3A_191 : vector<256x1xi32> to vector<256x4096xi32>
    %eq3A_193 = arith.cmpi eq, %iota3A, %eq3A_192 : vector<256x4096xi32>
    %jit3A_194 = arith.constant -1.000000e+30 : f32
    %broadcast_in_dim3A_195 = vector.broadcast %jit3A_194 : f32 to vector<256x4096xf32>
    %select_n3A_196 = arith.select %eq3A_193, %broadcast_in_dim3A_195, %select_n3A_166 : vector<256x4096xi1>, vector<256x4096xf32>
    %reduce_max3A_197 = arith.constant dense<0xFF800000> : vector<256xf32>
    %reduce_max3A_198 = vector.multi_reduction <maximumf>, %select_n3A_196, %reduce_max3A_197 [1] : vector<256x4096xf32> to vector<256xf32>
    %broadcast_in_dim3A_199 = vector.shape_cast %reduce_max3A_198 : vector<256xf32> to vector<256x1xf32>
    %eq3A_200 = vector.broadcast %broadcast_in_dim3A_199 : vector<256x1xf32> to vector<256x4096xf32>
    %eq3A_201 = arith.cmpf oeq, %select_n3A_196, %eq3A_200 : vector<256x4096xf32>
    %jit3A_202 = arith.constant 4096 : i32
    %broadcast_in_dim3A_203 = vector.broadcast %jit3A_202 : i32 to vector<256x4096xi32>
    %select_n3A_204 = arith.select %eq3A_201, %iota3A, %broadcast_in_dim3A_203 : vector<256x4096xi1>, vector<256x4096xi32>
    %reduce_min3A_205 = arith.constant dense<2147483647> : vector<256xi32>
    %reduce_min3A_206 = vector.multi_reduction <minsi>, %select_n3A_204, %reduce_min3A_205 [1] : vector<256x4096xi32> to vector<256xi32>
    %eq3A_207 = arith.constant 6 : i32
    %eq3A_208 = vector.broadcast %eq3A_207 : i32 to vector<256x16xi32>
    %eq3A_209 = arith.cmpi eq, %iota3A_17, %eq3A_208 : vector<256x16xi32>
    %broadcast_in_dim3A_210 = vector.shape_cast %reduce_max3A_198 : vector<256xf32> to vector<256x1xf32>
    %broadcast_in_dim3A_211 = vector.shape_cast %broadcast_in_dim3A_210 : vector<256x1xf32> to vector<256x1xf32>
    %broadcast_in_dim3A_212 = vector.broadcast %broadcast_in_dim3A_211 : vector<256x1xf32> to vector<256x16xf32>
    %select_n3A_213 = arith.select %eq3A_209, %broadcast_in_dim3A_212, %select_n3A_183 : vector<256x16xi1>, vector<256x16xf32>
    %eq3A_214 = arith.constant 6 : i32
    %eq3A_215 = vector.broadcast %eq3A_214 : i32 to vector<256x16xi32>
    %eq3A_216 = arith.cmpi eq, %iota3A_17, %eq3A_215 : vector<256x16xi32>
    %broadcast_in_dim3A_217 = vector.shape_cast %reduce_min3A_206 : vector<256xi32> to vector<256x1xi32>
    %broadcast_in_dim3A_218 = vector.shape_cast %broadcast_in_dim3A_217 : vector<256x1xi32> to vector<256x1xi32>
    %broadcast_in_dim3A_219 = vector.broadcast %broadcast_in_dim3A_218 : vector<256x1xi32> to vector<256x16xi32>
    %select_n3A_220 = arith.select %eq3A_216, %broadcast_in_dim3A_219, %select_n3A_190 : vector<256x16xi1>, vector<256x16xi32>
    %broadcast_in_dim3A_221 = vector.shape_cast %reduce_min3A_206 : vector<256xi32> to vector<256x1xi32>
    %eq3A_222 = vector.broadcast %broadcast_in_dim3A_221 : vector<256x1xi32> to vector<256x4096xi32>
    %eq3A_223 = arith.cmpi eq, %iota3A, %eq3A_222 : vector<256x4096xi32>
    %jit3A_224 = arith.constant -1.000000e+30 : f32
    %broadcast_in_dim3A_225 = vector.broadcast %jit3A_224 : f32 to vector<256x4096xf32>
    %select_n3A_226 = arith.select %eq3A_223, %broadcast_in_dim3A_225, %select_n3A_196 : vector<256x4096xi1>, vector<256x4096xf32>
    %reduce_max3A_227 = arith.constant dense<0xFF800000> : vector<256xf32>
    %reduce_max3A_228 = vector.multi_reduction <maximumf>, %select_n3A_226, %reduce_max3A_227 [1] : vector<256x4096xf32> to vector<256xf32>
    %broadcast_in_dim3A_229 = vector.shape_cast %reduce_max3A_228 : vector<256xf32> to vector<256x1xf32>
    %eq3A_230 = vector.broadcast %broadcast_in_dim3A_229 : vector<256x1xf32> to vector<256x4096xf32>
    %eq3A_231 = arith.cmpf oeq, %select_n3A_226, %eq3A_230 : vector<256x4096xf32>
    %jit3A_232 = arith.constant 4096 : i32
    %broadcast_in_dim3A_233 = vector.broadcast %jit3A_232 : i32 to vector<256x4096xi32>
    %select_n3A_234 = arith.select %eq3A_231, %iota3A, %broadcast_in_dim3A_233 : vector<256x4096xi1>, vector<256x4096xi32>
    %reduce_min3A_235 = arith.constant dense<2147483647> : vector<256xi32>
    %reduce_min3A_236 = vector.multi_reduction <minsi>, %select_n3A_234, %reduce_min3A_235 [1] : vector<256x4096xi32> to vector<256xi32>
    %eq3A_237 = arith.constant 7 : i32
    %eq3A_238 = vector.broadcast %eq3A_237 : i32 to vector<256x16xi32>
    %eq3A_239 = arith.cmpi eq, %iota3A_17, %eq3A_238 : vector<256x16xi32>
    %broadcast_in_dim3A_240 = vector.shape_cast %reduce_max3A_228 : vector<256xf32> to vector<256x1xf32>
    %broadcast_in_dim3A_241 = vector.shape_cast %broadcast_in_dim3A_240 : vector<256x1xf32> to vector<256x1xf32>
    %broadcast_in_dim3A_242 = vector.broadcast %broadcast_in_dim3A_241 : vector<256x1xf32> to vector<256x16xf32>
    %select_n3A_243 = arith.select %eq3A_239, %broadcast_in_dim3A_242, %select_n3A_213 : vector<256x16xi1>, vector<256x16xf32>
    %eq3A_244 = arith.constant 7 : i32
    %eq3A_245 = vector.broadcast %eq3A_244 : i32 to vector<256x16xi32>
    %eq3A_246 = arith.cmpi eq, %iota3A_17, %eq3A_245 : vector<256x16xi32>
    %broadcast_in_dim3A_247 = vector.shape_cast %reduce_min3A_236 : vector<256xi32> to vector<256x1xi32>
    %broadcast_in_dim3A_248 = vector.shape_cast %broadcast_in_dim3A_247 : vector<256x1xi32> to vector<256x1xi32>
    %broadcast_in_dim3A_249 = vector.broadcast %broadcast_in_dim3A_248 : vector<256x1xi32> to vector<256x16xi32>
    %select_n3A_250 = arith.select %eq3A_246, %broadcast_in_dim3A_249, %select_n3A_220 : vector<256x16xi1>, vector<256x16xi32>
    %broadcast_in_dim3A_251 = vector.shape_cast %reduce_min3A_236 : vector<256xi32> to vector<256x1xi32>
    %eq3A_252 = vector.broadcast %broadcast_in_dim3A_251 : vector<256x1xi32> to vector<256x4096xi32>
    %eq3A_253 = arith.cmpi eq, %iota3A, %eq3A_252 : vector<256x4096xi32>
    %jit3A_254 = arith.constant -1.000000e+30 : f32
    %broadcast_in_dim3A_255 = vector.broadcast %jit3A_254 : f32 to vector<256x4096xf32>
    %select_n3A_256 = arith.select %eq3A_253, %broadcast_in_dim3A_255, %select_n3A_226 : vector<256x4096xi1>, vector<256x4096xf32>
    %reduce_max3A_257 = arith.constant dense<0xFF800000> : vector<256xf32>
    %reduce_max3A_258 = vector.multi_reduction <maximumf>, %select_n3A_256, %reduce_max3A_257 [1] : vector<256x4096xf32> to vector<256xf32>
    %broadcast_in_dim3A_259 = vector.shape_cast %reduce_max3A_258 : vector<256xf32> to vector<256x1xf32>
    %eq3A_260 = vector.broadcast %broadcast_in_dim3A_259 : vector<256x1xf32> to vector<256x4096xf32>
    %eq3A_261 = arith.cmpf oeq, %select_n3A_256, %eq3A_260 : vector<256x4096xf32>
    %jit3A_262 = arith.constant 4096 : i32
    %broadcast_in_dim3A_263 = vector.broadcast %jit3A_262 : i32 to vector<256x4096xi32>
    %select_n3A_264 = arith.select %eq3A_261, %iota3A, %broadcast_in_dim3A_263 : vector<256x4096xi1>, vector<256x4096xi32>
    %reduce_min3A_265 = arith.constant dense<2147483647> : vector<256xi32>
    %reduce_min3A_266 = vector.multi_reduction <minsi>, %select_n3A_264, %reduce_min3A_265 [1] : vector<256x4096xi32> to vector<256xi32>
    %eq3A_267 = arith.constant 8 : i32
    %eq3A_268 = vector.broadcast %eq3A_267 : i32 to vector<256x16xi32>
    %eq3A_269 = arith.cmpi eq, %iota3A_17, %eq3A_268 : vector<256x16xi32>
    %broadcast_in_dim3A_270 = vector.shape_cast %reduce_max3A_258 : vector<256xf32> to vector<256x1xf32>
    %broadcast_in_dim3A_271 = vector.shape_cast %broadcast_in_dim3A_270 : vector<256x1xf32> to vector<256x1xf32>
    %broadcast_in_dim3A_272 = vector.broadcast %broadcast_in_dim3A_271 : vector<256x1xf32> to vector<256x16xf32>
    %select_n3A_273 = arith.select %eq3A_269, %broadcast_in_dim3A_272, %select_n3A_243 : vector<256x16xi1>, vector<256x16xf32>
    %eq3A_274 = arith.constant 8 : i32
    %eq3A_275 = vector.broadcast %eq3A_274 : i32 to vector<256x16xi32>
    %eq3A_276 = arith.cmpi eq, %iota3A_17, %eq3A_275 : vector<256x16xi32>
    %broadcast_in_dim3A_277 = vector.shape_cast %reduce_min3A_266 : vector<256xi32> to vector<256x1xi32>
    %broadcast_in_dim3A_278 = vector.shape_cast %broadcast_in_dim3A_277 : vector<256x1xi32> to vector<256x1xi32>
    %broadcast_in_dim3A_279 = vector.broadcast %broadcast_in_dim3A_278 : vector<256x1xi32> to vector<256x16xi32>
    %select_n3A_280 = arith.select %eq3A_276, %broadcast_in_dim3A_279, %select_n3A_250 : vector<256x16xi1>, vector<256x16xi32>
    %broadcast_in_dim3A_281 = vector.shape_cast %reduce_min3A_266 : vector<256xi32> to vector<256x1xi32>
    %eq3A_282 = vector.broadcast %broadcast_in_dim3A_281 : vector<256x1xi32> to vector<256x4096xi32>
    %eq3A_283 = arith.cmpi eq, %iota3A, %eq3A_282 : vector<256x4096xi32>
    %jit3A_284 = arith.constant -1.000000e+30 : f32
    %broadcast_in_dim3A_285 = vector.broadcast %jit3A_284 : f32 to vector<256x4096xf32>
    %select_n3A_286 = arith.select %eq3A_283, %broadcast_in_dim3A_285, %select_n3A_256 : vector<256x4096xi1>, vector<256x4096xf32>
    %reduce_max3A_287 = arith.constant dense<0xFF800000> : vector<256xf32>
    %reduce_max3A_288 = vector.multi_reduction <maximumf>, %select_n3A_286, %reduce_max3A_287 [1] : vector<256x4096xf32> to vector<256xf32>
    %broadcast_in_dim3A_289 = vector.shape_cast %reduce_max3A_288 : vector<256xf32> to vector<256x1xf32>
    %eq3A_290 = vector.broadcast %broadcast_in_dim3A_289 : vector<256x1xf32> to vector<256x4096xf32>
    %eq3A_291 = arith.cmpf oeq, %select_n3A_286, %eq3A_290 : vector<256x4096xf32>
    %jit3A_292 = arith.constant 4096 : i32
    %broadcast_in_dim3A_293 = vector.broadcast %jit3A_292 : i32 to vector<256x4096xi32>
    %select_n3A_294 = arith.select %eq3A_291, %iota3A, %broadcast_in_dim3A_293 : vector<256x4096xi1>, vector<256x4096xi32>
    %reduce_min3A_295 = arith.constant dense<2147483647> : vector<256xi32>
    %reduce_min3A_296 = vector.multi_reduction <minsi>, %select_n3A_294, %reduce_min3A_295 [1] : vector<256x4096xi32> to vector<256xi32>
    %eq3A_297 = arith.constant 9 : i32
    %eq3A_298 = vector.broadcast %eq3A_297 : i32 to vector<256x16xi32>
    %eq3A_299 = arith.cmpi eq, %iota3A_17, %eq3A_298 : vector<256x16xi32>
    %broadcast_in_dim3A_300 = vector.shape_cast %reduce_max3A_288 : vector<256xf32> to vector<256x1xf32>
    %broadcast_in_dim3A_301 = vector.shape_cast %broadcast_in_dim3A_300 : vector<256x1xf32> to vector<256x1xf32>
    %broadcast_in_dim3A_302 = vector.broadcast %broadcast_in_dim3A_301 : vector<256x1xf32> to vector<256x16xf32>
    %select_n3A_303 = arith.select %eq3A_299, %broadcast_in_dim3A_302, %select_n3A_273 : vector<256x16xi1>, vector<256x16xf32>
    %eq3A_304 = arith.constant 9 : i32
    %eq3A_305 = vector.broadcast %eq3A_304 : i32 to vector<256x16xi32>
    %eq3A_306 = arith.cmpi eq, %iota3A_17, %eq3A_305 : vector<256x16xi32>
    %broadcast_in_dim3A_307 = vector.shape_cast %reduce_min3A_296 : vector<256xi32> to vector<256x1xi32>
    %broadcast_in_dim3A_308 = vector.shape_cast %broadcast_in_dim3A_307 : vector<256x1xi32> to vector<256x1xi32>
    %broadcast_in_dim3A_309 = vector.broadcast %broadcast_in_dim3A_308 : vector<256x1xi32> to vector<256x16xi32>
    %select_n3A_310 = arith.select %eq3A_306, %broadcast_in_dim3A_309, %select_n3A_280 : vector<256x16xi1>, vector<256x16xi32>
    %broadcast_in_dim3A_311 = vector.shape_cast %reduce_min3A_296 : vector<256xi32> to vector<256x1xi32>
    %eq3A_312 = vector.broadcast %broadcast_in_dim3A_311 : vector<256x1xi32> to vector<256x4096xi32>
    %eq3A_313 = arith.cmpi eq, %iota3A, %eq3A_312 : vector<256x4096xi32>
    %jit3A_314 = arith.constant -1.000000e+30 : f32
    %broadcast_in_dim3A_315 = vector.broadcast %jit3A_314 : f32 to vector<256x4096xf32>
    %select_n3A_316 = arith.select %eq3A_313, %broadcast_in_dim3A_315, %select_n3A_286 : vector<256x4096xi1>, vector<256x4096xf32>
    %reduce_max3A_317 = arith.constant dense<0xFF800000> : vector<256xf32>
    %reduce_max3A_318 = vector.multi_reduction <maximumf>, %select_n3A_316, %reduce_max3A_317 [1] : vector<256x4096xf32> to vector<256xf32>
    %broadcast_in_dim3A_319 = vector.shape_cast %reduce_max3A_318 : vector<256xf32> to vector<256x1xf32>
    %eq3A_320 = vector.broadcast %broadcast_in_dim3A_319 : vector<256x1xf32> to vector<256x4096xf32>
    %eq3A_321 = arith.cmpf oeq, %select_n3A_316, %eq3A_320 : vector<256x4096xf32>
    %jit3A_322 = arith.constant 4096 : i32
    %broadcast_in_dim3A_323 = vector.broadcast %jit3A_322 : i32 to vector<256x4096xi32>
    %select_n3A_324 = arith.select %eq3A_321, %iota3A, %broadcast_in_dim3A_323 : vector<256x4096xi1>, vector<256x4096xi32>
    %reduce_min3A_325 = arith.constant dense<2147483647> : vector<256xi32>
    %reduce_min3A_326 = vector.multi_reduction <minsi>, %select_n3A_324, %reduce_min3A_325 [1] : vector<256x4096xi32> to vector<256xi32>
    %eq3A_327 = arith.constant 10 : i32
    %eq3A_328 = vector.broadcast %eq3A_327 : i32 to vector<256x16xi32>
    %eq3A_329 = arith.cmpi eq, %iota3A_17, %eq3A_328 : vector<256x16xi32>
    %broadcast_in_dim3A_330 = vector.shape_cast %reduce_max3A_318 : vector<256xf32> to vector<256x1xf32>
    %broadcast_in_dim3A_331 = vector.shape_cast %broadcast_in_dim3A_330 : vector<256x1xf32> to vector<256x1xf32>
    %broadcast_in_dim3A_332 = vector.broadcast %broadcast_in_dim3A_331 : vector<256x1xf32> to vector<256x16xf32>
    %select_n3A_333 = arith.select %eq3A_329, %broadcast_in_dim3A_332, %select_n3A_303 : vector<256x16xi1>, vector<256x16xf32>
    %eq3A_334 = arith.constant 10 : i32
    %eq3A_335 = vector.broadcast %eq3A_334 : i32 to vector<256x16xi32>
    %eq3A_336 = arith.cmpi eq, %iota3A_17, %eq3A_335 : vector<256x16xi32>
    %broadcast_in_dim3A_337 = vector.shape_cast %reduce_min3A_326 : vector<256xi32> to vector<256x1xi32>
    %broadcast_in_dim3A_338 = vector.shape_cast %broadcast_in_dim3A_337 : vector<256x1xi32> to vector<256x1xi32>
    %broadcast_in_dim3A_339 = vector.broadcast %broadcast_in_dim3A_338 : vector<256x1xi32> to vector<256x16xi32>
    %select_n3A_340 = arith.select %eq3A_336, %broadcast_in_dim3A_339, %select_n3A_310 : vector<256x16xi1>, vector<256x16xi32>
    %broadcast_in_dim3A_341 = vector.shape_cast %reduce_min3A_326 : vector<256xi32> to vector<256x1xi32>
    %eq3A_342 = vector.broadcast %broadcast_in_dim3A_341 : vector<256x1xi32> to vector<256x4096xi32>
    %eq3A_343 = arith.cmpi eq, %iota3A, %eq3A_342 : vector<256x4096xi32>
    %jit3A_344 = arith.constant -1.000000e+30 : f32
    %broadcast_in_dim3A_345 = vector.broadcast %jit3A_344 : f32 to vector<256x4096xf32>
    %select_n3A_346 = arith.select %eq3A_343, %broadcast_in_dim3A_345, %select_n3A_316 : vector<256x4096xi1>, vector<256x4096xf32>
    %reduce_max3A_347 = arith.constant dense<0xFF800000> : vector<256xf32>
    %reduce_max3A_348 = vector.multi_reduction <maximumf>, %select_n3A_346, %reduce_max3A_347 [1] : vector<256x4096xf32> to vector<256xf32>
    %broadcast_in_dim3A_349 = vector.shape_cast %reduce_max3A_348 : vector<256xf32> to vector<256x1xf32>
    %eq3A_350 = vector.broadcast %broadcast_in_dim3A_349 : vector<256x1xf32> to vector<256x4096xf32>
    %eq3A_351 = arith.cmpf oeq, %select_n3A_346, %eq3A_350 : vector<256x4096xf32>
    %jit3A_352 = arith.constant 4096 : i32
    %broadcast_in_dim3A_353 = vector.broadcast %jit3A_352 : i32 to vector<256x4096xi32>
    %select_n3A_354 = arith.select %eq3A_351, %iota3A, %broadcast_in_dim3A_353 : vector<256x4096xi1>, vector<256x4096xi32>
    %reduce_min3A_355 = arith.constant dense<2147483647> : vector<256xi32>
    %reduce_min3A_356 = vector.multi_reduction <minsi>, %select_n3A_354, %reduce_min3A_355 [1] : vector<256x4096xi32> to vector<256xi32>
    %eq3A_357 = arith.constant 11 : i32
    %eq3A_358 = vector.broadcast %eq3A_357 : i32 to vector<256x16xi32>
    %eq3A_359 = arith.cmpi eq, %iota3A_17, %eq3A_358 : vector<256x16xi32>
    %broadcast_in_dim3A_360 = vector.shape_cast %reduce_max3A_348 : vector<256xf32> to vector<256x1xf32>
    %broadcast_in_dim3A_361 = vector.shape_cast %broadcast_in_dim3A_360 : vector<256x1xf32> to vector<256x1xf32>
    %broadcast_in_dim3A_362 = vector.broadcast %broadcast_in_dim3A_361 : vector<256x1xf32> to vector<256x16xf32>
    %select_n3A_363 = arith.select %eq3A_359, %broadcast_in_dim3A_362, %select_n3A_333 : vector<256x16xi1>, vector<256x16xf32>
    %eq3A_364 = arith.constant 11 : i32
    %eq3A_365 = vector.broadcast %eq3A_364 : i32 to vector<256x16xi32>
    %eq3A_366 = arith.cmpi eq, %iota3A_17, %eq3A_365 : vector<256x16xi32>
    %broadcast_in_dim3A_367 = vector.shape_cast %reduce_min3A_356 : vector<256xi32> to vector<256x1xi32>
    %broadcast_in_dim3A_368 = vector.shape_cast %broadcast_in_dim3A_367 : vector<256x1xi32> to vector<256x1xi32>
    %broadcast_in_dim3A_369 = vector.broadcast %broadcast_in_dim3A_368 : vector<256x1xi32> to vector<256x16xi32>
    %select_n3A_370 = arith.select %eq3A_366, %broadcast_in_dim3A_369, %select_n3A_340 : vector<256x16xi1>, vector<256x16xi32>
    %broadcast_in_dim3A_371 = vector.shape_cast %reduce_min3A_356 : vector<256xi32> to vector<256x1xi32>
    %eq3A_372 = vector.broadcast %broadcast_in_dim3A_371 : vector<256x1xi32> to vector<256x4096xi32>
    %eq3A_373 = arith.cmpi eq, %iota3A, %eq3A_372 : vector<256x4096xi32>
    %jit3A_374 = arith.constant -1.000000e+30 : f32
    %broadcast_in_dim3A_375 = vector.broadcast %jit3A_374 : f32 to vector<256x4096xf32>
    %select_n3A_376 = arith.select %eq3A_373, %broadcast_in_dim3A_375, %select_n3A_346 : vector<256x4096xi1>, vector<256x4096xf32>
    %reduce_max3A_377 = arith.constant dense<0xFF800000> : vector<256xf32>
    %reduce_max3A_378 = vector.multi_reduction <maximumf>, %select_n3A_376, %reduce_max3A_377 [1] : vector<256x4096xf32> to vector<256xf32>
    %broadcast_in_dim3A_379 = vector.shape_cast %reduce_max3A_378 : vector<256xf32> to vector<256x1xf32>
    %eq3A_380 = vector.broadcast %broadcast_in_dim3A_379 : vector<256x1xf32> to vector<256x4096xf32>
    %eq3A_381 = arith.cmpf oeq, %select_n3A_376, %eq3A_380 : vector<256x4096xf32>
    %jit3A_382 = arith.constant 4096 : i32
    %broadcast_in_dim3A_383 = vector.broadcast %jit3A_382 : i32 to vector<256x4096xi32>
    %select_n3A_384 = arith.select %eq3A_381, %iota3A, %broadcast_in_dim3A_383 : vector<256x4096xi1>, vector<256x4096xi32>
    %reduce_min3A_385 = arith.constant dense<2147483647> : vector<256xi32>
    %reduce_min3A_386 = vector.multi_reduction <minsi>, %select_n3A_384, %reduce_min3A_385 [1] : vector<256x4096xi32> to vector<256xi32>
    %eq3A_387 = arith.constant 12 : i32
    %eq3A_388 = vector.broadcast %eq3A_387 : i32 to vector<256x16xi32>
    %eq3A_389 = arith.cmpi eq, %iota3A_17, %eq3A_388 : vector<256x16xi32>
    %broadcast_in_dim3A_390 = vector.shape_cast %reduce_max3A_378 : vector<256xf32> to vector<256x1xf32>
    %broadcast_in_dim3A_391 = vector.shape_cast %broadcast_in_dim3A_390 : vector<256x1xf32> to vector<256x1xf32>
    %broadcast_in_dim3A_392 = vector.broadcast %broadcast_in_dim3A_391 : vector<256x1xf32> to vector<256x16xf32>
    %select_n3A_393 = arith.select %eq3A_389, %broadcast_in_dim3A_392, %select_n3A_363 : vector<256x16xi1>, vector<256x16xf32>
    %eq3A_394 = arith.constant 12 : i32
    %eq3A_395 = vector.broadcast %eq3A_394 : i32 to vector<256x16xi32>
    %eq3A_396 = arith.cmpi eq, %iota3A_17, %eq3A_395 : vector<256x16xi32>
    %broadcast_in_dim3A_397 = vector.shape_cast %reduce_min3A_386 : vector<256xi32> to vector<256x1xi32>
    %broadcast_in_dim3A_398 = vector.shape_cast %broadcast_in_dim3A_397 : vector<256x1xi32> to vector<256x1xi32>
    %broadcast_in_dim3A_399 = vector.broadcast %broadcast_in_dim3A_398 : vector<256x1xi32> to vector<256x16xi32>
    %select_n3A_400 = arith.select %eq3A_396, %broadcast_in_dim3A_399, %select_n3A_370 : vector<256x16xi1>, vector<256x16xi32>
    %broadcast_in_dim3A_401 = vector.shape_cast %reduce_min3A_386 : vector<256xi32> to vector<256x1xi32>
    %eq3A_402 = vector.broadcast %broadcast_in_dim3A_401 : vector<256x1xi32> to vector<256x4096xi32>
    %eq3A_403 = arith.cmpi eq, %iota3A, %eq3A_402 : vector<256x4096xi32>
    %jit3A_404 = arith.constant -1.000000e+30 : f32
    %broadcast_in_dim3A_405 = vector.broadcast %jit3A_404 : f32 to vector<256x4096xf32>
    %select_n3A_406 = arith.select %eq3A_403, %broadcast_in_dim3A_405, %select_n3A_376 : vector<256x4096xi1>, vector<256x4096xf32>
    %reduce_max3A_407 = arith.constant dense<0xFF800000> : vector<256xf32>
    %reduce_max3A_408 = vector.multi_reduction <maximumf>, %select_n3A_406, %reduce_max3A_407 [1] : vector<256x4096xf32> to vector<256xf32>
    %broadcast_in_dim3A_409 = vector.shape_cast %reduce_max3A_408 : vector<256xf32> to vector<256x1xf32>
    %eq3A_410 = vector.broadcast %broadcast_in_dim3A_409 : vector<256x1xf32> to vector<256x4096xf32>
    %eq3A_411 = arith.cmpf oeq, %select_n3A_406, %eq3A_410 : vector<256x4096xf32>
    %jit3A_412 = arith.constant 4096 : i32
    %broadcast_in_dim3A_413 = vector.broadcast %jit3A_412 : i32 to vector<256x4096xi32>
    %select_n3A_414 = arith.select %eq3A_411, %iota3A, %broadcast_in_dim3A_413 : vector<256x4096xi1>, vector<256x4096xi32>
    %reduce_min3A_415 = arith.constant dense<2147483647> : vector<256xi32>
    %reduce_min3A_416 = vector.multi_reduction <minsi>, %select_n3A_414, %reduce_min3A_415 [1] : vector<256x4096xi32> to vector<256xi32>
    %eq3A_417 = arith.constant 13 : i32
    %eq3A_418 = vector.broadcast %eq3A_417 : i32 to vector<256x16xi32>
    %eq3A_419 = arith.cmpi eq, %iota3A_17, %eq3A_418 : vector<256x16xi32>
    %broadcast_in_dim3A_420 = vector.shape_cast %reduce_max3A_408 : vector<256xf32> to vector<256x1xf32>
    %broadcast_in_dim3A_421 = vector.shape_cast %broadcast_in_dim3A_420 : vector<256x1xf32> to vector<256x1xf32>
    %broadcast_in_dim3A_422 = vector.broadcast %broadcast_in_dim3A_421 : vector<256x1xf32> to vector<256x16xf32>
    %select_n3A_423 = arith.select %eq3A_419, %broadcast_in_dim3A_422, %select_n3A_393 : vector<256x16xi1>, vector<256x16xf32>
    %eq3A_424 = arith.constant 13 : i32
    %eq3A_425 = vector.broadcast %eq3A_424 : i32 to vector<256x16xi32>
    %eq3A_426 = arith.cmpi eq, %iota3A_17, %eq3A_425 : vector<256x16xi32>
    %broadcast_in_dim3A_427 = vector.shape_cast %reduce_min3A_416 : vector<256xi32> to vector<256x1xi32>
    %broadcast_in_dim3A_428 = vector.shape_cast %broadcast_in_dim3A_427 : vector<256x1xi32> to vector<256x1xi32>
    %broadcast_in_dim3A_429 = vector.broadcast %broadcast_in_dim3A_428 : vector<256x1xi32> to vector<256x16xi32>
    %select_n3A_430 = arith.select %eq3A_426, %broadcast_in_dim3A_429, %select_n3A_400 : vector<256x16xi1>, vector<256x16xi32>
    %broadcast_in_dim3A_431 = vector.shape_cast %reduce_min3A_416 : vector<256xi32> to vector<256x1xi32>
    %eq3A_432 = vector.broadcast %broadcast_in_dim3A_431 : vector<256x1xi32> to vector<256x4096xi32>
    %eq3A_433 = arith.cmpi eq, %iota3A, %eq3A_432 : vector<256x4096xi32>
    %jit3A_434 = arith.constant -1.000000e+30 : f32
    %broadcast_in_dim3A_435 = vector.broadcast %jit3A_434 : f32 to vector<256x4096xf32>
    %select_n3A_436 = arith.select %eq3A_433, %broadcast_in_dim3A_435, %select_n3A_406 : vector<256x4096xi1>, vector<256x4096xf32>
    %reduce_max3A_437 = arith.constant dense<0xFF800000> : vector<256xf32>
    %reduce_max3A_438 = vector.multi_reduction <maximumf>, %select_n3A_436, %reduce_max3A_437 [1] : vector<256x4096xf32> to vector<256xf32>
    %broadcast_in_dim3A_439 = vector.shape_cast %reduce_max3A_438 : vector<256xf32> to vector<256x1xf32>
    %eq3A_440 = vector.broadcast %broadcast_in_dim3A_439 : vector<256x1xf32> to vector<256x4096xf32>
    %eq3A_441 = arith.cmpf oeq, %select_n3A_436, %eq3A_440 : vector<256x4096xf32>
    %jit3A_442 = arith.constant 4096 : i32
    %broadcast_in_dim3A_443 = vector.broadcast %jit3A_442 : i32 to vector<256x4096xi32>
    %select_n3A_444 = arith.select %eq3A_441, %iota3A, %broadcast_in_dim3A_443 : vector<256x4096xi1>, vector<256x4096xi32>
    %reduce_min3A_445 = arith.constant dense<2147483647> : vector<256xi32>
    %reduce_min3A_446 = vector.multi_reduction <minsi>, %select_n3A_444, %reduce_min3A_445 [1] : vector<256x4096xi32> to vector<256xi32>
    %eq3A_447 = arith.constant 14 : i32
    %eq3A_448 = vector.broadcast %eq3A_447 : i32 to vector<256x16xi32>
    %eq3A_449 = arith.cmpi eq, %iota3A_17, %eq3A_448 : vector<256x16xi32>
    %broadcast_in_dim3A_450 = vector.shape_cast %reduce_max3A_438 : vector<256xf32> to vector<256x1xf32>
    %broadcast_in_dim3A_451 = vector.shape_cast %broadcast_in_dim3A_450 : vector<256x1xf32> to vector<256x1xf32>
    %broadcast_in_dim3A_452 = vector.broadcast %broadcast_in_dim3A_451 : vector<256x1xf32> to vector<256x16xf32>
    %select_n3A_453 = arith.select %eq3A_449, %broadcast_in_dim3A_452, %select_n3A_423 : vector<256x16xi1>, vector<256x16xf32>
    %eq3A_454 = arith.constant 14 : i32
    %eq3A_455 = vector.broadcast %eq3A_454 : i32 to vector<256x16xi32>
    %eq3A_456 = arith.cmpi eq, %iota3A_17, %eq3A_455 : vector<256x16xi32>
    %broadcast_in_dim3A_457 = vector.shape_cast %reduce_min3A_446 : vector<256xi32> to vector<256x1xi32>
    %broadcast_in_dim3A_458 = vector.shape_cast %broadcast_in_dim3A_457 : vector<256x1xi32> to vector<256x1xi32>
    %broadcast_in_dim3A_459 = vector.broadcast %broadcast_in_dim3A_458 : vector<256x1xi32> to vector<256x16xi32>
    %select_n3A_460 = arith.select %eq3A_456, %broadcast_in_dim3A_459, %select_n3A_430 : vector<256x16xi1>, vector<256x16xi32>
    %broadcast_in_dim3A_461 = vector.shape_cast %reduce_min3A_446 : vector<256xi32> to vector<256x1xi32>
    %eq3A_462 = vector.broadcast %broadcast_in_dim3A_461 : vector<256x1xi32> to vector<256x4096xi32>
    %eq3A_463 = arith.cmpi eq, %iota3A, %eq3A_462 : vector<256x4096xi32>
    %jit3A_464 = arith.constant -1.000000e+30 : f32
    %broadcast_in_dim3A_465 = vector.broadcast %jit3A_464 : f32 to vector<256x4096xf32>
    %select_n3A_466 = arith.select %eq3A_463, %broadcast_in_dim3A_465, %select_n3A_436 : vector<256x4096xi1>, vector<256x4096xf32>
    %reduce_max3A_467 = arith.constant dense<0xFF800000> : vector<256xf32>
    %reduce_max3A_468 = vector.multi_reduction <maximumf>, %select_n3A_466, %reduce_max3A_467 [1] : vector<256x4096xf32> to vector<256xf32>
    %broadcast_in_dim3A_469 = vector.shape_cast %reduce_max3A_468 : vector<256xf32> to vector<256x1xf32>
    %eq3A_470 = vector.broadcast %broadcast_in_dim3A_469 : vector<256x1xf32> to vector<256x4096xf32>
    %eq3A_471 = arith.cmpf oeq, %select_n3A_466, %eq3A_470 : vector<256x4096xf32>
    %jit3A_472 = arith.constant 4096 : i32
    %broadcast_in_dim3A_473 = vector.broadcast %jit3A_472 : i32 to vector<256x4096xi32>
    %select_n3A_474 = arith.select %eq3A_471, %iota3A, %broadcast_in_dim3A_473 : vector<256x4096xi1>, vector<256x4096xi32>
    %reduce_min3A_475 = arith.constant dense<2147483647> : vector<256xi32>
    %reduce_min3A_476 = vector.multi_reduction <minsi>, %select_n3A_474, %reduce_min3A_475 [1] : vector<256x4096xi32> to vector<256xi32>
    %eq3A_477 = arith.constant 15 : i32
    %eq3A_478 = vector.broadcast %eq3A_477 : i32 to vector<256x16xi32>
    %eq3A_479 = arith.cmpi eq, %iota3A_17, %eq3A_478 : vector<256x16xi32>
    %broadcast_in_dim3A_480 = vector.shape_cast %reduce_max3A_468 : vector<256xf32> to vector<256x1xf32>
    %broadcast_in_dim3A_481 = vector.shape_cast %broadcast_in_dim3A_480 : vector<256x1xf32> to vector<256x1xf32>
    %broadcast_in_dim3A_482 = vector.broadcast %broadcast_in_dim3A_481 : vector<256x1xf32> to vector<256x16xf32>
    %select_n3A_483 = arith.select %eq3A_479, %broadcast_in_dim3A_482, %select_n3A_453 : vector<256x16xi1>, vector<256x16xf32>
    %eq3A_484 = arith.constant 15 : i32
    %eq3A_485 = vector.broadcast %eq3A_484 : i32 to vector<256x16xi32>
    %eq3A_486 = arith.cmpi eq, %iota3A_17, %eq3A_485 : vector<256x16xi32>
    %broadcast_in_dim3A_487 = vector.shape_cast %reduce_min3A_476 : vector<256xi32> to vector<256x1xi32>
    %broadcast_in_dim3A_488 = vector.shape_cast %broadcast_in_dim3A_487 : vector<256x1xi32> to vector<256x1xi32>
    %broadcast_in_dim3A_489 = vector.broadcast %broadcast_in_dim3A_488 : vector<256x1xi32> to vector<256x16xi32>
    %select_n3A_490 = arith.select %eq3A_486, %broadcast_in_dim3A_489, %select_n3A_460 : vector<256x16xi1>, vector<256x16xi32>
    %swap3A = arith.constant 0 : index
    %swap3A_491 = arith.constant 0 : index
    %swap3A_492 = arith.constant 0 : index
    %swap3A_493 = vector.load %arg4[%swap3A, %swap3A_491, %swap3A_492] : memref<1x256x16xf32, #tpu.memory_space<vmem>>, vector<1x256x16xf32>
    %swap3A_494 = vector.shape_cast %swap3A_493 : vector<1x256x16xf32> to vector<256x16xf32>
    %swap3A_495 = vector.shape_cast %select_n3A_483 : vector<256x16xf32> to vector<1x256x16xf32>
    tpu.vector_store %arg4[%swap3A, %swap3A_491, %swap3A_492], %swap3A_495 {strides = array<i32>} : memref<1x256x16xf32, #tpu.memory_space<vmem>>, vector<1x256x16xf32>,
    %mul3A_496 = arith.constant 4096 : i32
    %mul3A_497 = arith.muli %arg0, %mul3A_496 : i32
    %add3A_498 = vector.broadcast %mul3A_497 : i32 to vector<256x16xi32>
    %add3A_499 = arith.addi %select_n3A_490, %add3A_498 : vector<256x16xi32>
    %swap3A_500 = arith.constant 0 : index
    %swap3A_501 = arith.constant 0 : index
    %swap3A_502 = arith.constant 0 : index
    %swap3A_503 = vector.load %arg5[%swap3A_500, %swap3A_501, %swap3A_502] : memref<1x256x16xi32, #tpu.memory_space<vmem>>, vector<1x256x16xi32>
    %swap3A_504 = vector.shape_cast %swap3A_503 : vector<1x256x16xi32> to vector<256x16xi32>
    %swap3A_505 = vector.shape_cast %add3A_499 : vector<256x16xi32> to vector<1x256x16xi32>
    tpu.vector_store %arg5[%swap3A_500, %swap3A_501, %swap3A_502], %swap3A_505 {strides = array<i32>} : memref<1x256x16xi32, #tpu.memory_space<vmem>>, vector<1x256x16xi32>,
    return
  }
  func.func @transform_0(%arg0: i32, %arg1: i32) -> (i32, i32, i32) {
    %c0_i32 = arith.constant 0 : i32
    %c0_i32_0 = arith.constant 0 : i32
    return %arg0, %arg1, %c0_i32 : i32, i32, i32
  }
  func.func @transform_1(%arg0: i32, %arg1: i32) -> (i32, i32, i32) {
    %c0_i32 = arith.constant 0 : i32
    %c0_i32_0 = arith.constant 0 : i32
    %c0_i32_1 = arith.constant 0 : i32
    return %arg0, %c0_i32, %c0_i32_0 : i32, i32, i32
  }
  func.func @transform_2(%arg0: i32, %arg1: i32) -> (i32, i32, i32) {
    %c0_i32 = arith.constant 0 : i32
    %c0_i32_0 = arith.constant 0 : i32
    return %arg0, %arg1, %c0_i32 : i32, i32, i32
  }
  func.func @transform_3(%arg0: i32, %arg1: i32) -> (i32, i32, i32) {
    %c0_i32 = arith.constant 0 : i32
    %c0_i32_0 = arith.constant 0 : i32
    return %arg0, %arg1, %c0_i32 : i32, i32, i32
  }
}

module attributes {stable_mosaic.version = 14 : i64} {
  func.func @_refine_body(%arg0: i32, %arg1: i32, %arg2: memref<1x256x16x256xf32, #tpu.memory_space<vmem>>, %arg3: memref<1x256x16x1xf32, #tpu.memory_space<vmem>>, %arg4: memref<1x256x128xf32, #tpu.memory_space<vmem>>, %arg5: memref<1x256x8xf32, #tpu.memory_space<vmem>>, %arg6: memref<128x128xf32, #tpu.memory_space<vmem>>, %arg7: memref<8x128xf32, #tpu.memory_space<vmem>>, %arg8: memref<1x128xf32, #tpu.memory_space<vmem>>, %arg9: memref<1x128xf32, #tpu.memory_space<vmem>>, %arg10: memref<1x128xf32, #tpu.memory_space<vmem>>, %arg11: memref<128x128xf32, #tpu.memory_space<vmem>>, %arg12: memref<1x128xf32, #tpu.memory_space<vmem>>, %arg13: memref<128x4xf32, #tpu.memory_space<vmem>>, %arg14: memref<1x4xf32, #tpu.memory_space<vmem>>, %arg15: memref<1x256x3xf32, #tpu.memory_space<vmem>>, %arg16: memref<1x256x3xf32, #tpu.memory_space<vmem>>, %arg17: memref<1x256x16xf32, #tpu.memory_space<vmem>>, %arg18: memref<1x256x1xf32, #tpu.memory_space<vmem>>, %arg19: memref<1x256x1xf32, #tpu.memory_space<vmem>>, %arg20: memref<1x256x1xf32, #tpu.memory_space<vmem>>) attributes {dimension_semantics = [#tpu.dimension_semantics<arbitrary>, #tpu.dimension_semantics<arbitrary>], iteration_bounds = array<i64: 2, 16>, scalar_prefetch = 0 : i64, scratch_operands = 0 : i64, tpu.core_type = #tpu.core_type<tc>, window_params = [{transform_indices = @transform_0, window_bounds = array<i64: 1, 256, 16, 256>}, {transform_indices = @transform_1, window_bounds = array<i64: 1, 256, 16, 1>}, {transform_indices = @transform_2, window_bounds = array<i64: 1, 256, 128>}, {transform_indices = @transform_3, window_bounds = array<i64: 1, 256, 8>}, {pipeline_mode = #tpu.pipeline_mode<synchronous>, transform_indices = @transform_4, window_bounds = array<i64: 128, 128>}, {pipeline_mode = #tpu.pipeline_mode<synchronous>, transform_indices = @transform_5, window_bounds = array<i64: 8, 128>}, {pipeline_mode = #tpu.pipeline_mode<synchronous>, transform_indices = @transform_6, window_bounds = array<i64: 1, 128>}, {pipeline_mode = #tpu.pipeline_mode<synchronous>, transform_indices = @transform_7, window_bounds = array<i64: 1, 128>}, {pipeline_mode = #tpu.pipeline_mode<synchronous>, transform_indices = @transform_8, window_bounds = array<i64: 1, 128>}, {pipeline_mode = #tpu.pipeline_mode<synchronous>, transform_indices = @transform_9, window_bounds = array<i64: 128, 128>}, {pipeline_mode = #tpu.pipeline_mode<synchronous>, transform_indices = @transform_10, window_bounds = array<i64: 1, 128>}, {pipeline_mode = #tpu.pipeline_mode<synchronous>, transform_indices = @transform_11, window_bounds = array<i64: 128, 4>}, {pipeline_mode = #tpu.pipeline_mode<synchronous>, transform_indices = @transform_12, window_bounds = array<i64: 1, 4>}, {transform_indices = @transform_13, window_bounds = array<i64: 1, 256, 3>}, {transform_indices = @transform_14, window_bounds = array<i64: 1, 256, 3>}, {transform_indices = @transform_15, window_bounds = array<i64: 1, 256, 16>}, {transform_indices = @transform_16, window_bounds = array<i64: 1, 256, 1>}, {transform_indices = @transform_17, window_bounds = array<i64: 1, 256, 1>}, {transform_indices = @transform_18, window_bounds = array<i64: 1, 256, 1>}]} {
    %get3A = arith.constant 0 : index
    %get3A_0 = arith.constant 0 : index
    %get3A_1 = arith.constant 0 : index
    %get3A_2 = arith.constant 0 : index
    %get3A_3 = vector.load %arg2[%get3A, %get3A_0, %get3A_1, %get3A_2] : memref<1x256x16x256xf32, #tpu.memory_space<vmem>>, vector<1x256x16x256xf32>
    %get3A_4 = vector.shape_cast %get3A_3 : vector<1x256x16x256xf32> to vector<256x16x256xf32>
    %slice3A = vector.extract_strided_slice %get3A_4 {offsets = [0, 0, 0], sizes = [256, 16, 128], strides = [1, 1, 1]} : vector<256x16x256xf32> to vector<256x16x128xf32>
    %get3A_5 = arith.constant 0 : index
    %get3A_6 = arith.constant 0 : index
    %get3A_7 = arith.constant 0 : index
    %get3A_8 = arith.constant 0 : index
    %get3A_9 = vector.load %arg3[%get3A_5, %get3A_6, %get3A_7, %get3A_8] : memref<1x256x16x1xf32, #tpu.memory_space<vmem>>, vector<1x256x16x1xf32>
    %get3A_10 = vector.shape_cast %get3A_9 : vector<1x256x16x1xf32> to vector<256x16x1xf32>
    %get3A_11 = arith.constant 0 : index
    %get3A_12 = arith.constant 0 : index
    %get3A_13 = arith.constant 0 : index
    %get3A_14 = vector.load %arg4[%get3A_11, %get3A_12, %get3A_13] : memref<1x256x128xf32, #tpu.memory_space<vmem>>, vector<1x256x128xf32>
    %get3A_15 = vector.shape_cast %get3A_14 : vector<1x256x128xf32> to vector<256x128xf32>
    %get3A_16 = arith.constant 0 : index
    %get3A_17 = arith.constant 0 : index
    %get3A_18 = arith.constant 0 : index
    %get3A_19 = vector.load %arg5[%get3A_16, %get3A_17, %get3A_18] : memref<1x256x8xf32, #tpu.memory_space<vmem>>, vector<1x256x8xf32>
    %get3A_20 = vector.shape_cast %get3A_19 : vector<1x256x8xf32> to vector<256x8xf32>
    %slice3A_21 = vector.extract_strided_slice %get3A_4 {offsets = [0, 0, 128], sizes = [256, 16, 3], strides = [1, 1, 1]} : vector<256x16x256xf32> to vector<256x16x3xf32>
    %slice3A_22 = vector.extract_strided_slice %get3A_4 {offsets = [0, 0, 131], sizes = [256, 16, 3], strides = [1, 1, 1]} : vector<256x16x256xf32> to vector<256x16x3xf32>
    %slice3A_23 = vector.extract_strided_slice %get3A_4 {offsets = [0, 0, 134], sizes = [256, 16, 1], strides = [1, 1, 1]} : vector<256x16x256xf32> to vector<256x16x1xf32>
    %slice3A_24 = vector.extract_strided_slice %get3A_20 {offsets = [0, 0], sizes = [256, 3], strides = [1, 1]} : vector<256x8xf32> to vector<256x3xf32>
    %broadcast_in_dim3A = vector.shape_cast %slice3A_24 : vector<256x3xf32> to vector<256x1x3xf32>
    %sub3A = vector.broadcast %broadcast_in_dim3A : vector<256x1x3xf32> to vector<256x16x3xf32>
    %sub3A_25 = arith.subf %slice3A_21, %sub3A : vector<256x16x3xf32>
    %mul3A = arith.mulf %sub3A_25, %sub3A_25 : vector<256x16x3xf32>
    %reduce_sum3A = arith.constant dense<0.000000e+00> : vector<256x16xf32>
    %reduce_sum3A_26 = vector.multi_reduction <add>, %mul3A, %reduce_sum3A [2] : vector<256x16x3xf32> to vector<256x16xf32>
    %broadcast_in_dim3A_27 = vector.shape_cast %reduce_sum3A_26 : vector<256x16xf32> to vector<256x16x1xf32>
    %sqrt3A = math.sqrt %broadcast_in_dim3A_27 : vector<256x16x1xf32>
    %get3A_28 = arith.constant 0 : index
    %get3A_29 = arith.constant 0 : index
    %get3A_30 = vector.load %arg6[%get3A_28, %get3A_29] : memref<128x128xf32, #tpu.memory_space<vmem>>, vector<128x128xf32>
    %dot_general3A = arith.constant dense<0.000000e+00> : vector<256x128xf32>
    %dot_general3A_31 = tpu.matmul %get3A_15, %get3A_30, %dot_general3A {dimension_numbers = #tpu.dot_dimension_numbers<[1], [0], [0], [1], [0, 0, 1, 1], [], []>, transpose_lhs_hint = false} : vector<256x128xf32>, vector<128x128xf32>, vector<256x128xf32> -> vector<256x128xf32>
    %get3A_32 = arith.constant 0 : index
    %get3A_33 = arith.constant 0 : index
    %get3A_34 = vector.load %arg7[%get3A_32, %get3A_33] : memref<8x128xf32, #tpu.memory_space<vmem>>, vector<8x128xf32>
    %dot_general3A_35 = arith.constant dense<0.000000e+00> : vector<256x128xf32>
    %dot_general3A_36 = tpu.matmul %get3A_20, %get3A_34, %dot_general3A_35 {dimension_numbers = #tpu.dot_dimension_numbers<[1], [0], [0], [1], [0, 0, 1, 1], [], []>, transpose_lhs_hint = false} : vector<256x8xf32>, vector<8x128xf32>, vector<256x128xf32> -> vector<256x128xf32>
    %add3A = arith.addf %dot_general3A_31, %dot_general3A_36 : vector<256x128xf32>
    %get3A_37 = arith.constant 0 : index
    %get3A_38 = arith.constant 0 : index
    %get3A_39 = vector.load %arg10[%get3A_37, %get3A_38] : memref<1x128xf32, #tpu.memory_space<vmem>>, vector<1x128xf32>
    %add3A_40 = vector.broadcast %get3A_39 : vector<1x128xf32> to vector<256x128xf32>
    %add3A_41 = arith.addf %add3A, %add3A_40 : vector<256x128xf32>
    %broadcast_in_dim3A_42 = vector.shape_cast %add3A_41 : vector<256x128xf32> to vector<256x1x128xf32>
    %add3A_43 = vector.broadcast %broadcast_in_dim3A_42 : vector<256x1x128xf32> to vector<256x16x128xf32>
    %add3A_44 = arith.addf %slice3A, %add3A_43 : vector<256x16x128xf32>
    %get3A_45 = arith.constant 0 : index
    %get3A_46 = arith.constant 0 : index
    %get3A_47 = vector.load %arg8[%get3A_45, %get3A_46] : memref<1x128xf32, #tpu.memory_space<vmem>>, vector<1x128xf32>
    %broadcast_in_dim3A_48 = vector.shape_cast %get3A_47 : vector<1x128xf32> to vector<1x1x128xf32>
    %mul3A_49 = vector.broadcast %get3A_10 : vector<256x16x1xf32> to vector<256x16x128xf32>
    %mul3A_50 = vector.broadcast %broadcast_in_dim3A_48 : vector<1x1x128xf32> to vector<256x16x128xf32>
    %mul3A_51 = arith.mulf %mul3A_49, %mul3A_50 : vector<256x16x128xf32>
    %add3A_52 = arith.addf %add3A_44, %mul3A_51 : vector<256x16x128xf32>
    %get3A_53 = arith.constant 0 : index
    %get3A_54 = arith.constant 0 : index
    %get3A_55 = vector.load %arg9[%get3A_53, %get3A_54] : memref<1x128xf32, #tpu.memory_space<vmem>>, vector<1x128xf32>
    %broadcast_in_dim3A_56 = vector.shape_cast %get3A_55 : vector<1x128xf32> to vector<1x1x128xf32>
    %mul3A_57 = vector.broadcast %sqrt3A : vector<256x16x1xf32> to vector<256x16x128xf32>
    %mul3A_58 = vector.broadcast %broadcast_in_dim3A_56 : vector<1x1x128xf32> to vector<256x16x128xf32>
    %mul3A_59 = arith.mulf %mul3A_57, %mul3A_58 : vector<256x16x128xf32>
    %add3A_60 = arith.addf %add3A_52, %mul3A_59 : vector<256x16x128xf32>
    %integer_pow3A = arith.mulf %add3A_60, %add3A_60 : vector<256x16x128xf32>
    %integer_pow3A_61 = arith.mulf %add3A_60, %integer_pow3A : vector<256x16x128xf32>
    %mul3A_62 = arith.constant 4.471500e-02 : f32
    %mul3A_63 = vector.broadcast %mul3A_62 : f32 to vector<256x16x128xf32>
    %mul3A_64 = arith.mulf %mul3A_63, %integer_pow3A_61 : vector<256x16x128xf32>
    %add3A_65 = arith.addf %add3A_60, %mul3A_64 : vector<256x16x128xf32>
    %mul3A_66 = arith.constant 0.797884583 : f32
    %mul3A_67 = vector.broadcast %mul3A_66 : f32 to vector<256x16x128xf32>
    %mul3A_68 = arith.mulf %mul3A_67, %add3A_65 : vector<256x16x128xf32>
    %tanh3A = math.tanh %mul3A_68 : vector<256x16x128xf32>
    %add3A_69 = arith.constant 1.000000e+00 : f32
    %add3A_70 = vector.broadcast %add3A_69 : f32 to vector<256x16x128xf32>
    %add3A_71 = arith.addf %add3A_70, %tanh3A : vector<256x16x128xf32>
    %mul3A_72 = arith.constant 5.000000e-01 : f32
    %mul3A_73 = vector.broadcast %mul3A_72 : f32 to vector<256x16x128xf32>
    %mul3A_74 = arith.mulf %mul3A_73, %add3A_71 : vector<256x16x128xf32>
    %mul3A_75 = arith.mulf %add3A_60, %mul3A_74 : vector<256x16x128xf32>
    %get3A_76 = arith.constant 0 : index
    %get3A_77 = arith.constant 0 : index
    %get3A_78 = vector.load %arg11[%get3A_76, %get3A_77] : memref<128x128xf32, #tpu.memory_space<vmem>>, vector<128x128xf32>
    %dot_general3A_79 = arith.constant dense<0.000000e+00> : vector<256x16x128xf32>
    %dot_general3A_80 = tpu.matmul %mul3A_75, %get3A_78, %dot_general3A_79 {dimension_numbers = #tpu.dot_dimension_numbers<[2], [0], [0, 1], [1], [0, 0, 0, 1, 1, 1], [], []>, transpose_lhs_hint = false} : vector<256x16x128xf32>, vector<128x128xf32>, vector<256x16x128xf32> -> vector<256x16x128xf32>
    %get3A_81 = arith.constant 0 : index
    %get3A_82 = arith.constant 0 : index
    %get3A_83 = vector.load %arg12[%get3A_81, %get3A_82] : memref<1x128xf32, #tpu.memory_space<vmem>>, vector<1x128xf32>
    %broadcast_in_dim3A_84 = vector.shape_cast %get3A_83 : vector<1x128xf32> to vector<1x1x128xf32>
    %add3A_85 = vector.broadcast %broadcast_in_dim3A_84 : vector<1x1x128xf32> to vector<256x16x128xf32>
    %add3A_86 = arith.addf %dot_general3A_80, %add3A_85 : vector<256x16x128xf32>
    %integer_pow3A_87 = arith.mulf %add3A_86, %add3A_86 : vector<256x16x128xf32>
    %integer_pow3A_88 = arith.mulf %add3A_86, %integer_pow3A_87 : vector<256x16x128xf32>
    %mul3A_89 = arith.constant 4.471500e-02 : f32
    %mul3A_90 = vector.broadcast %mul3A_89 : f32 to vector<256x16x128xf32>
    %mul3A_91 = arith.mulf %mul3A_90, %integer_pow3A_88 : vector<256x16x128xf32>
    %add3A_92 = arith.addf %add3A_86, %mul3A_91 : vector<256x16x128xf32>
    %mul3A_93 = arith.constant 0.797884583 : f32
    %mul3A_94 = vector.broadcast %mul3A_93 : f32 to vector<256x16x128xf32>
    %mul3A_95 = arith.mulf %mul3A_94, %add3A_92 : vector<256x16x128xf32>
    %tanh3A_96 = math.tanh %mul3A_95 : vector<256x16x128xf32>
    %add3A_97 = arith.constant 1.000000e+00 : f32
    %add3A_98 = vector.broadcast %add3A_97 : f32 to vector<256x16x128xf32>
    %add3A_99 = arith.addf %add3A_98, %tanh3A_96 : vector<256x16x128xf32>
    %mul3A_100 = arith.constant 5.000000e-01 : f32
    %mul3A_101 = vector.broadcast %mul3A_100 : f32 to vector<256x16x128xf32>
    %mul3A_102 = arith.mulf %mul3A_101, %add3A_99 : vector<256x16x128xf32>
    %mul3A_103 = arith.mulf %add3A_86, %mul3A_102 : vector<256x16x128xf32>
    %get3A_104 = arith.constant 0 : index
    %get3A_105 = arith.constant 0 : index
    %get3A_106 = vector.load %arg13[%get3A_104, %get3A_105] : memref<128x4xf32, #tpu.memory_space<vmem>>, vector<128x4xf32>
    %dot_general3A_107 = arith.constant dense<0.000000e+00> : vector<256x16x4xf32>
    %dot_general3A_108 = tpu.matmul %mul3A_103, %get3A_106, %dot_general3A_107 {dimension_numbers = #tpu.dot_dimension_numbers<[2], [0], [0, 1], [1], [0, 0, 0, 1, 1, 1], [], []>, transpose_lhs_hint = false} : vector<256x16x128xf32>, vector<128x4xf32>, vector<256x16x4xf32> -> vector<256x16x4xf32>
    %get3A_109 = arith.constant 0 : index
    %get3A_110 = arith.constant 0 : index
    %get3A_111 = vector.load %arg14[%get3A_109, %get3A_110] : memref<1x4xf32, #tpu.memory_space<vmem>>, vector<1x4xf32>
    %broadcast_in_dim3A_112 = vector.shape_cast %get3A_111 : vector<1x4xf32> to vector<1x1x4xf32>
    %add3A_113 = vector.broadcast %broadcast_in_dim3A_112 : vector<1x1x4xf32> to vector<256x16x4xf32>
    %add3A_114 = arith.addf %dot_general3A_108, %add3A_113 : vector<256x16x4xf32>
    %squeeze3A = vector.shape_cast %get3A_10 : vector<256x16x1xf32> to vector<256x16xf32>
    %slice3A_115 = vector.extract_strided_slice %add3A_114 {offsets = [0, 0, 0], sizes = [256, 16, 1], strides = [1, 1, 1]} : vector<256x16x4xf32> to vector<256x16x1xf32>
    %squeeze3A_116 = vector.shape_cast %slice3A_115 : vector<256x16x1xf32> to vector<256x16xf32>
    %add3A_117 = arith.addf %squeeze3A, %squeeze3A_116 : vector<256x16xf32>
    %slice3A_118 = vector.extract_strided_slice %add3A_114 {offsets = [0, 0, 1], sizes = [256, 16, 3], strides = [1, 1, 1]} : vector<256x16x4xf32> to vector<256x16x3xf32>
    %tanh3A_119 = math.tanh %slice3A_118 : vector<256x16x3xf32>
    %mul3A_120 = arith.constant 5.000000e-01 : f32
    %mul3A_121 = vector.broadcast %mul3A_120 : f32 to vector<256x16x3xf32>
    %mul3A_122 = arith.mulf %tanh3A_119, %mul3A_121 : vector<256x16x3xf32>
    %reduce_max3A = arith.constant dense<0xFF800000> : vector<256xf32>
    %reduce_max3A_123 = vector.multi_reduction <maximumf>, %add3A_117, %reduce_max3A [1] : vector<256x16xf32> to vector<256xf32>
    %broadcast_in_dim3A_124 = vector.shape_cast %reduce_max3A_123 : vector<256xf32> to vector<256x1xf32>
    %sub3A_125 = vector.broadcast %broadcast_in_dim3A_124 : vector<256x1xf32> to vector<256x16xf32>
    %sub3A_126 = arith.subf %add3A_117, %sub3A_125 : vector<256x16xf32>
    %exp3A = math.exp %sub3A_126 : vector<256x16xf32>
    %reduce_sum3A_127 = arith.constant dense<0.000000e+00> : vector<256xf32>
    %reduce_sum3A_128 = vector.multi_reduction <add>, %exp3A, %reduce_sum3A_127 [1] : vector<256x16xf32> to vector<256xf32>
    %broadcast_in_dim3A_129 = vector.shape_cast %reduce_sum3A_128 : vector<256xf32> to vector<256x1xf32>
    %div3A = vector.broadcast %broadcast_in_dim3A_129 : vector<256x1xf32> to vector<256x16xf32>
    %div3A_130 = arith.divf %exp3A, %div3A : vector<256x16xf32>
    %add3A_131 = arith.addf %slice3A_22, %mul3A_122 : vector<256x16x3xf32>
    %broadcast_in_dim3A_132 = vector.shape_cast %div3A_130 : vector<256x16xf32> to vector<256x16x1xf32>
    %mul3A_133 = vector.broadcast %broadcast_in_dim3A_132 : vector<256x16x1xf32> to vector<256x16x3xf32>
    %mul3A_134 = arith.mulf %mul3A_133, %add3A_131 : vector<256x16x3xf32>
    %reduce_sum3A_135 = arith.constant dense<0.000000e+00> : vector<256x3xf32>
    %reduce_sum3A_136 = vector.multi_reduction <add>, %mul3A_134, %reduce_sum3A_135 [1] : vector<256x16x3xf32> to vector<256x3xf32>
    %slice3A_137 = vector.extract_strided_slice %get3A_20 {offsets = [0, 3], sizes = [256, 3], strides = [1, 1]} : vector<256x8xf32> to vector<256x3xf32>
    %sub3A_138 = arith.subf %reduce_sum3A_136, %slice3A_137 : vector<256x3xf32>
    %iota3A = tpu.iota {dimensions = array<i32: 1>} : vector<256x16xi32>
    %reduce_max3A_139 = arith.constant dense<0xFF800000> : vector<256xf32>
    %reduce_max3A_140 = vector.multi_reduction <maximumf>, %div3A_130, %reduce_max3A_139 [1] : vector<256x16xf32> to vector<256xf32>
    %broadcast_in_dim3A_141 = vector.shape_cast %reduce_max3A_140 : vector<256xf32> to vector<256x1xf32>
    %eq3A = vector.broadcast %broadcast_in_dim3A_141 : vector<256x1xf32> to vector<256x16xf32>
    %eq3A_142 = arith.cmpf oeq, %div3A_130, %eq3A : vector<256x16xf32>
    %jit3A = arith.constant 16 : i32
    %broadcast_in_dim3A_143 = vector.broadcast %jit3A : i32 to vector<256x16xi32>
    %select_n3A = arith.select %eq3A_142, %iota3A, %broadcast_in_dim3A_143 : vector<256x16xi1>, vector<256x16xi32>
    %reduce_min3A = arith.constant dense<2147483647> : vector<256xi32>
    %reduce_min3A_144 = vector.multi_reduction <minsi>, %select_n3A, %reduce_min3A [1] : vector<256x16xi32> to vector<256xi32>
    %broadcast_in_dim3A_145 = vector.shape_cast %reduce_min3A_144 : vector<256xi32> to vector<256x1xi32>
    %eq3A_146 = vector.broadcast %broadcast_in_dim3A_145 : vector<256x1xi32> to vector<256x16xi32>
    %eq3A_147 = arith.cmpi eq, %iota3A, %eq3A_146 : vector<256x16xi32>
    %jit3A_148 = arith.constant -1.000000e+00 : f32
    %broadcast_in_dim3A_149 = vector.broadcast %jit3A_148 : f32 to vector<256x16xf32>
    %select_n3A_150 = arith.select %eq3A_147, %broadcast_in_dim3A_149, %div3A_130 : vector<256x16xi1>, vector<256x16xf32>
    %reduce_max3A_151 = arith.constant dense<0xFF800000> : vector<256xf32>
    %reduce_max3A_152 = vector.multi_reduction <maximumf>, %select_n3A_150, %reduce_max3A_151 [1] : vector<256x16xf32> to vector<256xf32>
    %broadcast_in_dim3A_153 = vector.shape_cast %reduce_max3A_152 : vector<256xf32> to vector<256x1xf32>
    %sub3A_154 = arith.subf %broadcast_in_dim3A_141, %broadcast_in_dim3A_153 : vector<256x1xf32>
    %eq3A_155 = vector.broadcast %broadcast_in_dim3A_145 : vector<256x1xi32> to vector<256x16xi32>
    %eq3A_156 = arith.cmpi eq, %iota3A, %eq3A_155 : vector<256x16xi32>
    %squeeze3A_157 = vector.shape_cast %slice3A_23 : vector<256x16x1xf32> to vector<256x16xf32>
    %jit3A_158 = arith.constant 0.000000e+00 : f32
    %broadcast_in_dim3A_159 = vector.broadcast %jit3A_158 : f32 to vector<256x16xf32>
    %select_n3A_160 = arith.select %eq3A_156, %squeeze3A_157, %broadcast_in_dim3A_159 : vector<256x16xi1>, vector<256x16xf32>
    %reduce_sum3A_161 = arith.constant dense<0.000000e+00> : vector<256xf32>
    %reduce_sum3A_162 = vector.multi_reduction <add>, %select_n3A_160, %reduce_sum3A_161 [1] : vector<256x16xf32> to vector<256xf32>
    %broadcast_in_dim3A_163 = vector.shape_cast %reduce_sum3A_162 : vector<256xf32> to vector<256x1xf32>
    %slice3A_164 = vector.extract_strided_slice %get3A_20 {offsets = [0, 7], sizes = [256, 1], strides = [1, 1]} : vector<256x8xf32> to vector<256x1xf32>
    %mul3A_165 = arith.mulf %slice3A_164, %broadcast_in_dim3A_163 : vector<256x1xf32>
    %max3A = arith.constant 9.99999997E-7 : f32
    %max3A_166 = vector.broadcast %max3A : f32 to vector<256x1xf32>
    %max3A_167 = arith.maximumf %mul3A_165, %max3A_166 : vector<256x1xf32>
    %sqrt3A_168 = math.sqrt %max3A_167 : vector<256x1xf32>
    %mul3A_169 = arith.mulf %broadcast_in_dim3A_141, %sqrt3A_168 : vector<256x1xf32>
    %add3A_170 = arith.constant 9.99999996E-13 : f32
    %add3A_171 = vector.broadcast %add3A_170 : f32 to vector<256x16xf32>
    %add3A_172 = arith.addf %div3A_130, %add3A_171 : vector<256x16xf32>
    %log3A = math.log %add3A_172 : vector<256x16xf32>
    %mul3A_173 = arith.mulf %div3A_130, %log3A : vector<256x16xf32>
    %reduce_sum3A_174 = arith.constant dense<0.000000e+00> : vector<256xf32>
    %reduce_sum3A_175 = vector.multi_reduction <add>, %mul3A_173, %reduce_sum3A_174 [1] : vector<256x16xf32> to vector<256xf32>
    %broadcast_in_dim3A_176 = vector.shape_cast %reduce_sum3A_175 : vector<256xf32> to vector<256x1xf32>
    %neg3A = arith.constant 0.000000e+00 : f32
    %neg3A_177 = vector.broadcast %neg3A : f32 to vector<256x1xf32>
    %neg3A_178 = arith.subf %neg3A_177, %broadcast_in_dim3A_176 : vector<256x1xf32>
    %swap3A = arith.constant 0 : index
    %swap3A_179 = arith.constant 0 : index
    %swap3A_180 = arith.constant 0 : index
    %swap3A_181 = vector.load %arg15[%swap3A, %swap3A_179, %swap3A_180] : memref<1x256x3xf32, #tpu.memory_space<vmem>>, vector<1x256x3xf32>
    %swap3A_182 = vector.shape_cast %swap3A_181 : vector<1x256x3xf32> to vector<256x3xf32>
    %swap3A_183 = vector.shape_cast %reduce_sum3A_136 : vector<256x3xf32> to vector<1x256x3xf32>
    tpu.vector_store %arg15[%swap3A, %swap3A_179, %swap3A_180], %swap3A_183 {strides = array<i32>} : memref<1x256x3xf32, #tpu.memory_space<vmem>>, vector<1x256x3xf32>,
    %jit3A_184 = arith.constant 0.000000e+00 : f32
    %jit3A_185 = arith.constant 0.000000e+00 : f32
    %jit3A_186 = arith.constant 0.000000e+00 : f32
    %ne3A = arith.cmpf one, %sub3A_138, %sub3A_138 : vector<256x3xf32>
    %broadcast_in_dim3A_187 = vector.broadcast %jit3A_184 : f32 to vector<256x3xf32>
    %select_n3A_188 = arith.select %ne3A, %broadcast_in_dim3A_187, %sub3A_138 : vector<256x3xi1>, vector<256x3xf32>
    %eq3A_189 = arith.constant 0x7F800000 : f32
    %eq3A_190 = vector.broadcast %eq3A_189 : f32 to vector<256x3xf32>
    %eq3A_191 = arith.cmpf oeq, %select_n3A_188, %eq3A_190 : vector<256x3xf32>
    %broadcast_in_dim3A_192 = vector.broadcast %jit3A_186 : f32 to vector<256x3xf32>
    %select_n3A_193 = arith.select %eq3A_191, %broadcast_in_dim3A_192, %select_n3A_188 : vector<256x3xi1>, vector<256x3xf32>
    %eq3A_194 = arith.constant 0xFF800000 : f32
    %eq3A_195 = vector.broadcast %eq3A_194 : f32 to vector<256x3xf32>
    %eq3A_196 = arith.cmpf oeq, %select_n3A_193, %eq3A_195 : vector<256x3xf32>
    %broadcast_in_dim3A_197 = vector.broadcast %jit3A_185 : f32 to vector<256x3xf32>
    %select_n3A_198 = arith.select %eq3A_196, %broadcast_in_dim3A_197, %select_n3A_193 : vector<256x3xi1>, vector<256x3xf32>
    %swap3A_199 = arith.constant 0 : index
    %swap3A_200 = arith.constant 0 : index
    %swap3A_201 = arith.constant 0 : index
    %swap3A_202 = vector.load %arg16[%swap3A_199, %swap3A_200, %swap3A_201] : memref<1x256x3xf32, #tpu.memory_space<vmem>>, vector<1x256x3xf32>
    %swap3A_203 = vector.shape_cast %swap3A_202 : vector<1x256x3xf32> to vector<256x3xf32>
    %swap3A_204 = vector.shape_cast %select_n3A_198 : vector<256x3xf32> to vector<1x256x3xf32>
    tpu.vector_store %arg16[%swap3A_199, %swap3A_200, %swap3A_201], %swap3A_204 {strides = array<i32>} : memref<1x256x3xf32, #tpu.memory_space<vmem>>, vector<1x256x3xf32>,
    %jit3A_205 = arith.constant 0.000000e+00 : f32
    %jit3A_206 = arith.constant 0.000000e+00 : f32
    %jit3A_207 = arith.constant 0.000000e+00 : f32
    %ne3A_208 = arith.cmpf one, %div3A_130, %div3A_130 : vector<256x16xf32>
    %broadcast_in_dim3A_209 = vector.broadcast %jit3A_205 : f32 to vector<256x16xf32>
    %select_n3A_210 = arith.select %ne3A_208, %broadcast_in_dim3A_209, %div3A_130 : vector<256x16xi1>, vector<256x16xf32>
    %eq3A_211 = arith.constant 0x7F800000 : f32
    %eq3A_212 = vector.broadcast %eq3A_211 : f32 to vector<256x16xf32>
    %eq3A_213 = arith.cmpf oeq, %select_n3A_210, %eq3A_212 : vector<256x16xf32>
    %broadcast_in_dim3A_214 = vector.broadcast %jit3A_207 : f32 to vector<256x16xf32>
    %select_n3A_215 = arith.select %eq3A_213, %broadcast_in_dim3A_214, %select_n3A_210 : vector<256x16xi1>, vector<256x16xf32>
    %eq3A_216 = arith.constant 0xFF800000 : f32
    %eq3A_217 = vector.broadcast %eq3A_216 : f32 to vector<256x16xf32>
    %eq3A_218 = arith.cmpf oeq, %select_n3A_215, %eq3A_217 : vector<256x16xf32>
    %broadcast_in_dim3A_219 = vector.broadcast %jit3A_206 : f32 to vector<256x16xf32>
    %select_n3A_220 = arith.select %eq3A_218, %broadcast_in_dim3A_219, %select_n3A_215 : vector<256x16xi1>, vector<256x16xf32>
    %swap3A_221 = arith.constant 0 : index
    %swap3A_222 = arith.constant 0 : index
    %swap3A_223 = arith.constant 0 : index
    %swap3A_224 = vector.load %arg17[%swap3A_221, %swap3A_222, %swap3A_223] : memref<1x256x16xf32, #tpu.memory_space<vmem>>, vector<1x256x16xf32>
    %swap3A_225 = vector.shape_cast %swap3A_224 : vector<1x256x16xf32> to vector<256x16xf32>
    %swap3A_226 = vector.shape_cast %select_n3A_220 : vector<256x16xf32> to vector<1x256x16xf32>
    tpu.vector_store %arg17[%swap3A_221, %swap3A_222, %swap3A_223], %swap3A_226 {strides = array<i32>} : memref<1x256x16xf32, #tpu.memory_space<vmem>>, vector<1x256x16xf32>,
    %swap3A_227 = arith.constant 0 : index
    %swap3A_228 = arith.constant 0 : index
    %swap3A_229 = arith.constant 0 : index
    %swap3A_230 = vector.load %arg18[%swap3A_227, %swap3A_228, %swap3A_229] : memref<1x256x1xf32, #tpu.memory_space<vmem>>, vector<1x256x1xf32>
    %swap3A_231 = vector.shape_cast %swap3A_230 : vector<1x256x1xf32> to vector<256x1xf32>
    %swap3A_232 = vector.shape_cast %mul3A_169 : vector<256x1xf32> to vector<1x256x1xf32>
    tpu.vector_store %arg18[%swap3A_227, %swap3A_228, %swap3A_229], %swap3A_232 {strides = array<i32>} : memref<1x256x1xf32, #tpu.memory_space<vmem>>, vector<1x256x1xf32>,
    %jit3A_233 = arith.constant 0.000000e+00 : f32
    %jit3A_234 = arith.constant 0.000000e+00 : f32
    %jit3A_235 = arith.constant 0.000000e+00 : f32
    %ne3A_236 = arith.cmpf one, %sub3A_154, %sub3A_154 : vector<256x1xf32>
    %broadcast_in_dim3A_237 = vector.broadcast %jit3A_233 : f32 to vector<256x1xf32>
    %select_n3A_238 = arith.select %ne3A_236, %broadcast_in_dim3A_237, %sub3A_154 : vector<256x1xi1>, vector<256x1xf32>
    %eq3A_239 = arith.constant 0x7F800000 : f32
    %eq3A_240 = vector.broadcast %eq3A_239 : f32 to vector<256x1xf32>
    %eq3A_241 = arith.cmpf oeq, %select_n3A_238, %eq3A_240 : vector<256x1xf32>
    %broadcast_in_dim3A_242 = vector.broadcast %jit3A_235 : f32 to vector<256x1xf32>
    %select_n3A_243 = arith.select %eq3A_241, %broadcast_in_dim3A_242, %select_n3A_238 : vector<256x1xi1>, vector<256x1xf32>
    %eq3A_244 = arith.constant 0xFF800000 : f32
    %eq3A_245 = vector.broadcast %eq3A_244 : f32 to vector<256x1xf32>
    %eq3A_246 = arith.cmpf oeq, %select_n3A_243, %eq3A_245 : vector<256x1xf32>
    %broadcast_in_dim3A_247 = vector.broadcast %jit3A_234 : f32 to vector<256x1xf32>
    %select_n3A_248 = arith.select %eq3A_246, %broadcast_in_dim3A_247, %select_n3A_243 : vector<256x1xi1>, vector<256x1xf32>
    %swap3A_249 = arith.constant 0 : index
    %swap3A_250 = arith.constant 0 : index
    %swap3A_251 = arith.constant 0 : index
    %swap3A_252 = vector.load %arg19[%swap3A_249, %swap3A_250, %swap3A_251] : memref<1x256x1xf32, #tpu.memory_space<vmem>>, vector<1x256x1xf32>
    %swap3A_253 = vector.shape_cast %swap3A_252 : vector<1x256x1xf32> to vector<256x1xf32>
    %swap3A_254 = vector.shape_cast %select_n3A_248 : vector<256x1xf32> to vector<1x256x1xf32>
    tpu.vector_store %arg19[%swap3A_249, %swap3A_250, %swap3A_251], %swap3A_254 {strides = array<i32>} : memref<1x256x1xf32, #tpu.memory_space<vmem>>, vector<1x256x1xf32>,
    %jit3A_255 = arith.constant 0.000000e+00 : f32
    %jit3A_256 = arith.constant 0.000000e+00 : f32
    %jit3A_257 = arith.constant 0.000000e+00 : f32
    %ne3A_258 = arith.cmpf one, %neg3A_178, %neg3A_178 : vector<256x1xf32>
    %broadcast_in_dim3A_259 = vector.broadcast %jit3A_255 : f32 to vector<256x1xf32>
    %select_n3A_260 = arith.select %ne3A_258, %broadcast_in_dim3A_259, %neg3A_178 : vector<256x1xi1>, vector<256x1xf32>
    %eq3A_261 = arith.constant 0x7F800000 : f32
    %eq3A_262 = vector.broadcast %eq3A_261 : f32 to vector<256x1xf32>
    %eq3A_263 = arith.cmpf oeq, %select_n3A_260, %eq3A_262 : vector<256x1xf32>
    %broadcast_in_dim3A_264 = vector.broadcast %jit3A_257 : f32 to vector<256x1xf32>
    %select_n3A_265 = arith.select %eq3A_263, %broadcast_in_dim3A_264, %select_n3A_260 : vector<256x1xi1>, vector<256x1xf32>
    %eq3A_266 = arith.constant 0xFF800000 : f32
    %eq3A_267 = vector.broadcast %eq3A_266 : f32 to vector<256x1xf32>
    %eq3A_268 = arith.cmpf oeq, %select_n3A_265, %eq3A_267 : vector<256x1xf32>
    %broadcast_in_dim3A_269 = vector.broadcast %jit3A_256 : f32 to vector<256x1xf32>
    %select_n3A_270 = arith.select %eq3A_268, %broadcast_in_dim3A_269, %select_n3A_265 : vector<256x1xi1>, vector<256x1xf32>
    %swap3A_271 = arith.constant 0 : index
    %swap3A_272 = arith.constant 0 : index
    %swap3A_273 = arith.constant 0 : index
    %swap3A_274 = vector.load %arg20[%swap3A_271, %swap3A_272, %swap3A_273] : memref<1x256x1xf32, #tpu.memory_space<vmem>>, vector<1x256x1xf32>
    %swap3A_275 = vector.shape_cast %swap3A_274 : vector<1x256x1xf32> to vector<256x1xf32>
    %swap3A_276 = vector.shape_cast %select_n3A_270 : vector<256x1xf32> to vector<1x256x1xf32>
    tpu.vector_store %arg20[%swap3A_271, %swap3A_272, %swap3A_273], %swap3A_276 {strides = array<i32>} : memref<1x256x1xf32, #tpu.memory_space<vmem>>, vector<1x256x1xf32>,
    return
  }
  func.func @transform_0(%arg0: i32, %arg1: i32) -> (i32, i32, i32, i32) {
    %c0_i32 = arith.constant 0 : i32
    %c0_i32_0 = arith.constant 0 : i32
    %c0_i32_1 = arith.constant 0 : i32
    return %arg0, %arg1, %c0_i32, %c0_i32_0 : i32, i32, i32, i32
  }
  func.func @transform_1(%arg0: i32, %arg1: i32) -> (i32, i32, i32, i32) {
    %c0_i32 = arith.constant 0 : i32
    %c0_i32_0 = arith.constant 0 : i32
    %c0_i32_1 = arith.constant 0 : i32
    return %arg0, %arg1, %c0_i32, %c0_i32_0 : i32, i32, i32, i32
  }
  func.func @transform_2(%arg0: i32, %arg1: i32) -> (i32, i32, i32) {
    %c0_i32 = arith.constant 0 : i32
    %c0_i32_0 = arith.constant 0 : i32
    return %arg0, %arg1, %c0_i32 : i32, i32, i32
  }
  func.func @transform_3(%arg0: i32, %arg1: i32) -> (i32, i32, i32) {
    %c0_i32 = arith.constant 0 : i32
    %c0_i32_0 = arith.constant 0 : i32
    return %arg0, %arg1, %c0_i32 : i32, i32, i32
  }
  func.func @transform_4(%arg0: i32, %arg1: i32) -> (i32, i32) {
    %c0_i32 = arith.constant 0 : i32
    %c0_i32_0 = arith.constant 0 : i32
    %c0_i32_1 = arith.constant 0 : i32
    return %c0_i32, %c0_i32_0 : i32, i32
  }
  func.func @transform_5(%arg0: i32, %arg1: i32) -> (i32, i32) {
    %c0_i32 = arith.constant 0 : i32
    %c0_i32_0 = arith.constant 0 : i32
    %c0_i32_1 = arith.constant 0 : i32
    return %c0_i32, %c0_i32_0 : i32, i32
  }
  func.func @transform_6(%arg0: i32, %arg1: i32) -> (i32, i32) {
    %c0_i32 = arith.constant 0 : i32
    %c0_i32_0 = arith.constant 0 : i32
    %c0_i32_1 = arith.constant 0 : i32
    return %c0_i32, %c0_i32_0 : i32, i32
  }
  func.func @transform_7(%arg0: i32, %arg1: i32) -> (i32, i32) {
    %c0_i32 = arith.constant 0 : i32
    %c0_i32_0 = arith.constant 0 : i32
    %c0_i32_1 = arith.constant 0 : i32
    return %c0_i32, %c0_i32_0 : i32, i32
  }
  func.func @transform_8(%arg0: i32, %arg1: i32) -> (i32, i32) {
    %c0_i32 = arith.constant 0 : i32
    %c0_i32_0 = arith.constant 0 : i32
    %c0_i32_1 = arith.constant 0 : i32
    return %c0_i32, %c0_i32_0 : i32, i32
  }
  func.func @transform_9(%arg0: i32, %arg1: i32) -> (i32, i32) {
    %c0_i32 = arith.constant 0 : i32
    %c0_i32_0 = arith.constant 0 : i32
    %c0_i32_1 = arith.constant 0 : i32
    return %c0_i32, %c0_i32_0 : i32, i32
  }
  func.func @transform_10(%arg0: i32, %arg1: i32) -> (i32, i32) {
    %c0_i32 = arith.constant 0 : i32
    %c0_i32_0 = arith.constant 0 : i32
    %c0_i32_1 = arith.constant 0 : i32
    return %c0_i32, %c0_i32_0 : i32, i32
  }
  func.func @transform_11(%arg0: i32, %arg1: i32) -> (i32, i32) {
    %c0_i32 = arith.constant 0 : i32
    %c0_i32_0 = arith.constant 0 : i32
    %c0_i32_1 = arith.constant 0 : i32
    return %c0_i32, %c0_i32_0 : i32, i32
  }
  func.func @transform_12(%arg0: i32, %arg1: i32) -> (i32, i32) {
    %c0_i32 = arith.constant 0 : i32
    %c0_i32_0 = arith.constant 0 : i32
    %c0_i32_1 = arith.constant 0 : i32
    return %c0_i32, %c0_i32_0 : i32, i32
  }
  func.func @transform_13(%arg0: i32, %arg1: i32) -> (i32, i32, i32) {
    %c0_i32 = arith.constant 0 : i32
    %c0_i32_0 = arith.constant 0 : i32
    return %arg0, %arg1, %c0_i32 : i32, i32, i32
  }
  func.func @transform_14(%arg0: i32, %arg1: i32) -> (i32, i32, i32) {
    %c0_i32 = arith.constant 0 : i32
    %c0_i32_0 = arith.constant 0 : i32
    return %arg0, %arg1, %c0_i32 : i32, i32, i32
  }
  func.func @transform_15(%arg0: i32, %arg1: i32) -> (i32, i32, i32) {
    %c0_i32 = arith.constant 0 : i32
    %c0_i32_0 = arith.constant 0 : i32
    return %arg0, %arg1, %c0_i32 : i32, i32, i32
  }
  func.func @transform_16(%arg0: i32, %arg1: i32) -> (i32, i32, i32) {
    %c0_i32 = arith.constant 0 : i32
    %c0_i32_0 = arith.constant 0 : i32
    return %arg0, %arg1, %c0_i32 : i32, i32, i32
  }
  func.func @transform_17(%arg0: i32, %arg1: i32) -> (i32, i32, i32) {
    %c0_i32 = arith.constant 0 : i32
    %c0_i32_0 = arith.constant 0 : i32
    return %arg0, %arg1, %c0_i32 : i32, i32, i32
  }
  func.func @transform_18(%arg0: i32, %arg1: i32) -> (i32, i32, i32) {
    %c0_i32 = arith.constant 0 : i32
    %c0_i32_0 = arith.constant 0 : i32
    return %arg0, %arg1, %c0_i32 : i32, i32, i32
  }
}

</mosaic_0001>

<sc_bundles>
// kernel: kernel.6.cloned.1.call-start
scs
__scs_entry_jumppad:
0x0: {  	(pc) =	sbr.rel $0x88, $3  }
0x1: {  	(tag) =	ssettag $0x0;
	lr =	simm.s32 $0x1  }
0x2: {  	[smem:$0x3F8F] =	sst lr;
	_ =	strace $0xD0000000  }
0x3: {  	_ = 	snop  }
0x4: {  	_ = 	snop  }
0x5: {  	_ = 	snop  }
0x6: {  	_ = 	snop  }
0x7: {  	_ = 	snop  }
__scs_overlays_trampoline_lowered:
0x8: {  	[smem:$0x3F9E] =	sst s0  }
0x9: {  	[smem:$0x3F9F] =	sst s1  }
0xa: {  	[smem:$0x3FA0] =	sst s2  }
0xb: {  	[smem:$0x3FA1] =	sst s3  }
0xc: {  	[smem:$0x3FA2] =	sst s4  }
0xd: {  	[smem:$0x3FA3] =	sst s5  }
0xe: {  	[smem:$0x3FA4] =	sst s6  }
0xf: {  	[smem:$0x3FA5] =	sst s7  }
0x10: {  	[smem:$0x3FA6] =	sst s8  }
0x11: {  	[smem:$0x3FA7] =	sst s9;
	s0 =	simm.s32 @!p0 $0x0  }
0x12: {  	s1 =	sld [smem:$0x3F8D];
	s0 =	simm.s32 @p0 $0x1  }
0x13: {  	[smem:$0x3FA8] =	sst s0;
	s0 =	simm.s32 @!p1 $0x0  }
0x14: {  	s2 =	sld [smem:$0x3F8C];
	s0 =	simm.s32 @p1 $0x1  }
0x15: {  	[smem:$0x3FA9] =	sst s0;
	s0 =	simm.s32 @!p2 $0x0  }
0x16: {  	s3 =	sld [smem:$0x3FDB];
	s0 =	simm.s32 @p2 $0x1  }
0x17: {  	s4 =	simm.s32 $0x1BF5;
	[smem:$0x3FAB] =	sst s0  }
0x18: {  	s0 =	sld [smem:$0x3F8E];
	_ =	swait.ge [sflag:s4], $0x0  }
0x19: {  	s7 =	sld [smem:$0x3F8F]  }
0x1a: {  	s8 =	sadd.s32 $0xFFFFE003, lr  }
0x1b: {  	s9 =	sadd.s32 $0xFFFFFEF7, lr;
	s5 =	simm.s32 $0xFFFFFFFF;
	p2 =	slt.u32 s8, $0xFFFFF086  }
0x1c: {  	p1 =	slt.u32 s9, $0xF7A;
	s5 =	simm.s32 @!p2 $0x0  }
0x1d: {  	s5 =	simm.s32 @p1 $0x1;
	p0 =	seq.s32 s7, s2  }
0x1e: {  	s7 =	smul.u32 @!p0 $0xF7A, s2;
	p2 =	seq.s32 @!p0 s5, $0x0  }
0x1f: {  	s9 =	smul.u32 $0xF7A, s1;
	s8 =	simm.s32 @!p0 $0x1BF5;
	p2 =	por !p2, p0  }
0x20: {  	[sflag:s8] =	ssyncset.s32 @!p0 $0xFFFFF086;
	s6 =	sadd.s32 @!p0 s3, s7;
	s7 =	simm.s32 @!p0 $0x108  }
0x21: {  	s3 =	sadd.s32 s3, s9;
	s6 =	sadd.s32 @!p0 $0x88, s6;
	s7 =	simm.s32 @p2 $0x1082  }
0x22: {  	[simem:s7], [sflag:s8] =	dma.local @!p0 [hbm:s6], $0xF7A  }
0x23: {  	s9 =	sor.u32 $0xD0000000, s2;
	s6 =	simm.s32 $0x108;
	_ =	swait.ge @!p0 [sflag:s8], $0x0  }
0x24: {  	s3 =	sadd.s32 $0x88, s3;
	s6 =	simm.s32 @!p1 $0x1082;
	[sflag:s4] =	ssyncset.s32 $0xFFFFF086  }
0x25: {  	[simem:s6], [sflag:s4] =	dma.local [hbm:s3], $0xF7A  }
0x26: {  	[smem:$0x3F8F] =	sst s1;
	(tag) =	ssettag s2;
	_ =	strace s9  }
0x27: {  	s1 =	sld [smem:$0x3F9F]  }
0x28: {  	s2 =	sld [smem:$0x3FA0]  }
0x29: {  	s4 =	sld [smem:$0x3FA2]  }
0x2a: {  	p0 =	seq.s32 s5, $0x0;
	s5 =	sld [smem:$0x3FA3]  }
0x2b: {  	s6 =	sld [smem:$0x3FA4]  }
0x2c: {  	s7 =	sld [smem:$0x3FA5]  }
0x2d: {  	s3 =	simm.s32 $0x108;
	s8 =	sld [smem:$0x3FA6]  }
0x2e: {  	s3 =	simm.s32 @!p0 $0x1082;
	s9 =	sld [smem:$0x3FA7]  }
0x2f: {  	lr =	sadd.s32 s0, s3;
	s0 =	sld [smem:$0x3F9E]  }
0x30: {  	s3 =	sld [smem:$0x3FA1]  }
0x31: {  	[smem:$0x3FAA] =	sst s10  }
0x32: {  	s10 =	sld [smem:$0x3FA8];
	_ =	sdelay $0x3  }
0x33: {  	p0 =	seq.s32 s10, $0x1;
	s10 =	sld [smem:$0x3FAA];
	_ =	sdelay $0x3  }
0x34: {  	[smem:$0x3FAA] =	sst s10  }
0x35: {  	s10 =	sld [smem:$0x3FA9];
	_ =	sdelay $0x3  }
0x36: {  	p1 =	seq.s32 s10, $0x1;
	s10 =	sld [smem:$0x3FAA];
	_ =	sdelay $0x3  }
0x37: {  	[smem:$0x3FAA] =	sst s10  }
0x38: {  	s10 =	sld [smem:$0x3FAB]  }
0x39: {  	_ = 	snop;
	(pc) =	sbr.ind lr, $3  }
0x3a: {  	_ = 	snop  }
0x3b: {  	_ = 	snop  }
0x3c: {  	p2 =	seq.s32 s10, $0x1;
	s10 =	sld [smem:$0x3FAA]  }
0x3d: {  	_ =	shalt  }
0x3e: {  	_ =	shalt  }
0x3f: {  	_ =	shalt  }
0x40: {  	_ =	shalt  }
0x41: {  	_ =	shalt  }
0x42: {  	_ =	shalt  }
0x43: {  	_ =	shalt  }
0x44: {  	_ =	shalt  }
0x45: {  	_ =	shalt  }
0x46: {  	_ =	shalt  }
0x47: {  	_ =	shalt  }
0x48: {  	_ =	shalt  }
0x49: {  	_ =	shalt  }
0x4a: {  	_ =	shalt  }
0x4b: {  	_ =	shalt  }
0x4c: {  	_ =	shalt  }
0x4d: {  	_ =	shalt  }
0x4e: {  	_ =	shalt  }
0x4f: {  	_ =	shalt  }
0x50: {  	_ =	shalt  }
0x51: {  	_ =	shalt  }
0x52: {  	_ =	shalt  }
0x53: {  	_ =	shalt  }
0x54: {  	_ =	shalt  }
0x55: {  	_ =	shalt  }
0x56: {  	_ =	shalt  }
0x57: {  	_ =	shalt  }
0x58: {  	_ =	shalt  }
0x59: {  	_ =	shalt  }
0x5a: {  	_ =	shalt  }
0x5b: {  	_ =	shalt  }
0x5c: {  	_ =	shalt  }
0x5d: {  	_ =	shalt  }
0x5e: {  	_ =	shalt  }
0x5f: {  	_ =	shalt  }
0x60: {  	_ =	shalt  }
0x61: {  	_ =	shalt  }
0x62: {  	_ =	shalt  }
0x63: {  	_ =	shalt  }
0x64: {  	_ =	shalt  }
0x65: {  	_ =	shalt  }
0x66: {  	_ =	shalt  }
0x67: {  	_ =	shalt  }
0x68: {  	_ =	shalt  }
0x69: {  	_ =	shalt  }
0x6a: {  	_ =	shalt  }
0x6b: {  	_ =	shalt  }
0x6c: {  	_ =	shalt  }
0x6d: {  	_ =	shalt  }
0x6e: {  	_ =	shalt  }
0x6f: {  	_ =	shalt  }
0x70: {  	_ =	shalt  }
0x71: {  	_ =	shalt  }
0x72: {  	_ =	shalt  }
0x73: {  	_ =	shalt  }
0x74: {  	_ =	shalt  }
0x75: {  	_ =	shalt  }
0x76: {  	_ =	shalt  }
0x77: {  	_ =	shalt  }
0x78: {  	_ =	shalt  }
0x79: {  	_ =	shalt  }
0x7a: {  	_ =	shalt  }
0x7b: {  	_ =	shalt  }
0x7c: {  	_ =	shalt  }
0x7d: {  	_ =	shalt  }
0x7e: {  	_ =	shalt  }
0x7f: {  	_ =	shalt  }
0x80: {  	_ =	shalt  }
0x81: {  	_ =	shalt  }
0x82: {  	_ =	shalt  }
0x83: {  	_ =	shalt  }
0x84: {  	_ =	shalt  }
0x85: {  	_ =	shalt  }
0x86: {  	_ =	shalt  }
0x87: {  	_ =	shalt  }
.Lfunc_end0:
.L_simem_size_0:
called_computation_lowered:
.L_overlay_start_0:
0x88: {  	s2 =	sld [smem:$0x3FD9]  }
0x89: {  	s3 =	sld [smem:$0x3FFE];
	_ =	sdelay $0x1  }
0x8a: {  	s1 =	srdreg.scid  }
0x8b: {  	s0 =	sand.u32 $0x1, s1  }
0x8c: {  	s14 =	sshll.u32 s0, $0xA;
	s2 =	sadd.s32 s3, s2  }
0x8d: {  	s2 =	sadd.s32 s2, s14  }
0x8e: {  	[smem:$0x3FB6] =	sst s2  }
0x8f: {  	_ = 	snop  }
0x90: {  	s2 =	sld [smem:$0x3FD0];
	_ =	sdelay $0x2  }
0x91: {  	s15 =	simm.s32 $0xA;
	s4 =	simm.s32 $0x10  }
0x92: {  	[smem:s4], [sflag:s15] =	dma.local [hbm:s2], $0x1  }
0x93: {  	_ =	swait.eq [sflag:s15], $0x1  }
0x94: {  	[sflag:s15] =	ssyncset.done $0x0  }
0x95: {  	[sflag:s15] =	ssyncadd.s32 $0xFFFFFFFF  }
0x96: {  	s16 =	sld [smem:$0x12];
	(tm) =	ssettm $0x1  }
0x97: {  	s17 =	sld [smem:$0x3FFB];
	_ =	sdelay $0x3  }
0x98: {  	_ =	strace s17  }
0x99: {  	s3 =	sld [smem:$0x3FFC];
	_ =	sdelay $0x3  }
0x9a: {  	_ =	strace s3  }
0x9b: {  	s3 =	sld [smem:$0x3FFD];
	_ =	sdelay $0x3  }
0x9c: {  	_ =	strace s3  }
0x9d: {  	_ =	strace $0x8FFFFFFF  }
0x9e: {  	s18 =	sld [smem:$0x3FDB];
	_ =	sdelay $0x1  }
0x9f: {  	s19 =	simm.s32 $_scs_section_size  }
0xa0: {  	s5 =	simm.s32 $_size__tile_overlayer_lowered;
	s6 =	simm.s32 $_tile_overlayer_lowered  }
0xa1: {  	s22 =	simm.s32 $0x1BFF;
	s21 =	sshll.u32 s6, $0x1;
	s3 =	sadd.s32 s19, s18  }
0xa2: {  	s7 =	simm.s32 $0x0;
	s20 =	sshll.u32 s5, $0x1;
	s5 =	sadd.s32 s21, s3  }
0xa3: {  	[timem:s7], [sflag:s22] =	dma.local [hbm:s5], s20  }
0xa4: {  	_ =	swait.ge [sflag:s22], s20  }
0xa5: {  	s4 =	ssub.s32 $0x0, s20;
	[sflag:s22] =	ssyncset.done $0x0  }
0xa6: {  	[sflag:s22] =	ssyncadd.s32 s4;
	_ =	sdelay $0x1  }
0xa7: {  	s23 =	simm.s32 $0x1B8B  }
0xa8: {  	_ =	swait.ge [sflag:s23], $0x1  }
0xa9: {  	[sflag:s23] =	ssyncset.done $0x0  }
0xaa: {  	s25 =	simm.s32 $0x1B8E;
	s24 =	sld [smem:$0x3FFE];
	[sflag:s23] =	ssyncadd.s32 $0xFFFFFFFF  }
0xab: {  	s26 =	simm.s32 $execute0_lowered;
	[smem:$0x3FD2] =	sst s25  }
0xac: {  	s5 =	sshll.u32 s26, $0x1;
	_ =	strace $0x80000046;
	[dreg:$0x1] =	wrdreg $0xFFFFFFFF  }
0xad: {  	s28 =	simm.s32 $_size_execute0_lowered;
	s3 =	sadd.s32 s3, s5;
	[dreg:$0x0] =	wrdreg $0x0  }
0xae: {  	s5 =	sshll.u32 s28, $0x1;
	[dreg:$0x2] =	wrdreg s3  }
0xaf: {  	[dreg:$0x3] =	wrdreg s5  }
0xb0: {  	[dreg:$0x4] =	wrdreg $0xC0  }
0xb1: {  	_ =	task [dreg:s7], $0x5FFFF  }
0xb2: {  	[dreg:$0x1] =	wrdreg $0xFFFFFFFF  }
0xb3: {  	[dreg:$0x0] =	wrdreg $0x60  }
0xb4: {  	[dreg:$0x2] =	wrdreg s24  }
0xb5: {  	[dreg:$0x3] =	wrdreg s16  }
0xb6: {  	[dreg:$0x4] =	wrdreg $0x9  }
0xb7: {  	_ =	task.clear_ibuf [dreg:s7], $0x5FFFF;
	_ =	strace $0x90000046  }
0xb8: {  	s29 =	simm.s32 $0x9;
	_ =	strace $0x80000048  }
0xb9: {  	_ =	swait.ge [sflag:s29], $0x1  }
0xba: {  	[sflag:s29] =	ssyncadd.s32 $0xFFFFFFFF  }
0xbb: {  	_ =	strace $0x90000048  }
0xbc: {  	_ =	sfence  }
0xbd: {  	s30 =	sld [smem:$0x0];
	_ =	sdelay $0x2  }
0xbe: {  	s31 =	sshll.u32 s1, $0xD;
	s1 =	sshrl.u32 s1, $0x2  }
0xbf: {  	s3 =	sand.u32 $0x4000, s31;
	s1 =	sadd.s32 s1, s30  }
0xc0: {  	s0 =	sor.u32 s3, s0;
	s1 =	sshll.u32 s1, $0x11  }
0xc1: {  	s0 =	sor.u32 s1, s0  }
0xc2: {  	s0 =	sadd.s32 $0x8F2B, s0  }
0xc3: {  	[sflag:s0] =	ssyncadd.remote.s32 $0x1  }
0xc4: {  	_ =	sfence.sel $0xFFFF  }
0xc5: {  	[dreg:$0x0] =	wrdreg $0xFFFFFFFF;
	(pc) =	sbr.abs _section_cstart, $3  }
0xc6: {  	[dreg:$0x1] =	wrdreg $0xFFFFFFFF  }
0xc7: {  	_ =	task.clear_ibuf [dreg:s7], $0x2FFFF;
	_ =	strace $0x9FFFFFFF  }
0xc8: {  	(tm) =	ssettm $0x7FFFFFFF  }
0xc9: {  	_ =	shalt  }
tec
execute0_lowered:
.L_overlay_start_1:
0x0: {  	(tag) =	ssettag $0x1  }
0x1: {  	s4 =	rddreg [dreg:$0x0]  }
0x2: {  	s5 =	rddreg [dreg:$0x1]  }
0x3: {  	s0 =	rddreg [dreg:$0x2]  }
0x4: {  	s2 =	simm.s32 $0x0;
	s1 =	stileid.u32;
	s7 =	srdreg.scid  }
0x5: {  	s11 =	simm.s32 $0x2800;
	s12 =	simm.s32 $0x3000;
	s13 =	simm.s32 $0x3800  }
0x6: {  	s14 =	simm.s32 $0x4000;
	s15 =	simm.s32 $0x4800;
	s16 =	simm.s32 $0x5000  }
0x7: {  	s17 =	simm.s32 $0x5800;
	s18 =	simm.s32 $0x6000;
	s19 =	simm.s32 $0x6800  }
0x8: {  	s20 =	simm.s32 $0x7000;
	s21 =	simm.s32 $0x7800;
	s22 =	simm.s32 $0x8000  }
0x9: {  	s23 =	simm.s32 $0x8800;
	s24 =	simm.s32 $0x1;
	s25 =	simm.s32 $0x0  }
0xa: {  	[smem:$0x7FF] =	sst s2;
	s6 =	sshll.u32 s1, $0x12;
	s3 =	sadd.s32 $0x3600, s4  }
0xb: {  	s30 =	sand.u32 $0x1, s7;
	s8 =	sshll.u32 s1, $0xA;
	_ =	strace $0x80000047  }
0xc: {  	s6 =	sadd.s32 s6, s4;
	s7 =	ssub.s32 $0x2, s30;
	s9 =	sshll.u32 s30, $0x9  }
0xd: {  	s31 =	sshll.u32 s30, $0x11;
	s10 =	sshrl.u32 s7, $0x1;
	s8 =	sor.u32 s9, s8  }
0xe: {  	v2 =	vlaneseq.u32;
	s6 =	sadd.s32 s31, s6;
	s9 =	simm.s32 $0x1800;
	s7 =	ssub.s32 s7, s10  }
0xf: {  	vm0 =	vmmov $0xffff;
	v1 =	vshrl.u32 v2, $0x3;
	s4 =	sadd.s32 s5, s8;
	s6 =	sadd.s32 $0x63600, s6;
	s8 =	simm.s32 $0x1000  }
0x10: {  	v0 =	vand.u32 $0x7, v2;
	v2 =	vor.u32 $0x8, v2;
	v1 =	vmul.u32 $0x8, v1;
	s10 =	simm.s32 $0x2000;
	s5 =	smax.u32 s7, $0x1;
	s7 =	simm.s32 $0x2  }
.LBB2_1:
0x11: {  	[tilespmem:s2], [sflag:$0x2] =	stream.linear.gather [hbm4b:s4+s2], $0x1000, $0x38;
	[tilespmem:$0x9000] =	vst v63  }
0x12: {  	_ =	swait.ge [sflag:s7], $0x1000  }
0x13: {  	[sflag:s7] =	ssyncset.done $0x0  }
0x14: {  	s26 =	simm.s32 $0x40;
	s28 =	simm.s32 $0x0;
	[sflag:s7] =	ssyncadd.s32 $0xFFFFF000  }
.LBB2_2:
0x15: {  	v3 =	vld [tilespmem:s26+$0xFFFFFFC0];
	_ =	sdelay $0x4  }
0x16: {  	v4 =	vshll.u32 v3, $0x1  }
0x17: {  	v3 =	vand.u32 $0x7, v3;
	v4 =	vand.u32 $0xFFFFFFF0, v4  }
0x18: {  	v3 =	vor.u32 v3, v4  }
0x19: {  	v4 =	vperm.xlane v3, v0;
	_ =	sdelay $0x1  }
0x1a: {  	v3 =	vperm.xlane v3, v2;
	v4 =	vadd.s32 v1, v4;
	_ =	sdelay $0x1  }
0x1b: {  	v3 =	vadd.s32 v1, v3;
	_ =	sdelay $0x2  }
0x1c: {  	[tilespmem:s8], [sflag:$0x1] =	stream.indirect_vreg.gather [hbm4b:s3+s2], $0x80, v4, vm0, $0xb8;
	[tilespmem:$0x9000] =	vst v63  }
0x1d: {  	_ = 	snop  }
0x1e: {  	[tilespmem:s9], [sflag:$0x1] =	stream.indirect_vreg.gather [hbm4b:s3+s2], $0x80, v3, vm0, $0xb8;
	[tilespmem:$0x9000] =	vst v63  }
0x1f: {  	v3 =	vld [tilespmem:s26+$0xFFFFFFD0];
	_ =	sdelay $0x4  }
0x20: {  	v57 =	vshll.u32 v3, $0x1  }
0x21: {  	v3 =	vand.u32 $0x7, v3;
	v4 =	vand.u32 $0xFFFFFFF0, v57  }
0x22: {  	v3 =	vor.u32 v3, v4  }
0x23: {  	v4 =	vperm.xlane v3, v0;
	_ =	sdelay $0x1  }
0x24: {  	v3 =	vperm.xlane v3, v2;
	v4 =	vadd.s32 v1, v4;
	_ =	sdelay $0x1  }
0x25: {  	v3 =	vadd.s32 v1, v3;
	_ =	sdelay $0x2  }
0x26: {  	[tilespmem:s10], [sflag:$0x1] =	stream.indirect_vreg.gather [hbm4b:s3+s2], $0x80, v4, vm0, $0xb8;
	[tilespmem:$0x9000] =	vst v63  }
0x27: {  	_ = 	snop  }
0x28: {  	[tilespmem:s11], [sflag:$0x1] =	stream.indirect_vreg.gather [hbm4b:s3+s2], $0x80, v3, vm0, $0xb8;
	[tilespmem:$0x9000] =	vst v63  }
0x29: {  	v3 =	vld [tilespmem:s26+$0xFFFFFFE0];
	_ =	sdelay $0x4  }
0x2a: {  	v58 =	vshll.u32 v3, $0x1  }
0x2b: {  	v3 =	vand.u32 $0x7, v3;
	v4 =	vand.u32 $0xFFFFFFF0, v58  }
0x2c: {  	v3 =	vor.u32 v3, v4  }
0x2d: {  	v4 =	vperm.xlane v3, v0;
	_ =	sdelay $0x1  }
0x2e: {  	v3 =	vperm.xlane v3, v2;
	v4 =	vadd.s32 v1, v4;
	_ =	sdelay $0x1  }
0x2f: {  	v3 =	vadd.s32 v1, v3;
	_ =	sdelay $0x2  }
0x30: {  	[tilespmem:s12], [sflag:$0x1] =	stream.indirect_vreg.gather [hbm4b:s3+s2], $0x80, v4, vm0, $0xb8;
	[tilespmem:$0x9000] =	vst v63  }
0x31: {  	_ = 	snop  }
0x32: {  	[tilespmem:s13], [sflag:$0x1] =	stream.indirect_vreg.gather [hbm4b:s3+s2], $0x80, v3, vm0, $0xb8;
	[tilespmem:$0x9000] =	vst v63  }
0x33: {  	v3 =	vld [tilespmem:s26+$0xFFFFFFF0];
	_ =	sdelay $0x4  }
0x34: {  	v59 =	vshll.u32 v3, $0x1  }
0x35: {  	v3 =	vand.u32 $0x7, v3;
	v4 =	vand.u32 $0xFFFFFFF0, v59  }
0x36: {  	v3 =	vor.u32 v3, v4  }
0x37: {  	v4 =	vperm.xlane v3, v0;
	_ =	sdelay $0x1  }
0x38: {  	v3 =	vperm.xlane v3, v2;
	v4 =	vadd.s32 v1, v4;
	_ =	sdelay $0x1  }
0x39: {  	v3 =	vadd.s32 v1, v3;
	_ =	sdelay $0x2  }
0x3a: {  	[tilespmem:s14], [sflag:$0x1] =	stream.indirect_vreg.gather [hbm4b:s3+s2], $0x80, v4, vm0, $0xb8;
	[tilespmem:$0x9000] =	vst v63  }
0x3b: {  	_ = 	snop  }
0x3c: {  	[tilespmem:s15], [sflag:$0x1] =	stream.indirect_vreg.gather [hbm4b:s3+s2], $0x80, v3, vm0, $0xb8;
	[tilespmem:$0x9000] =	vst v63  }
0x3d: {  	v3 =	vld [tilespmem:s26+$0x0];
	_ =	sdelay $0x4  }
0x3e: {  	v60 =	vshll.u32 v3, $0x1  }
0x3f: {  	v3 =	vand.u32 $0x7, v3;
	v4 =	vand.u32 $0xFFFFFFF0, v60  }
0x40: {  	v3 =	vor.u32 v3, v4  }
0x41: {  	v4 =	vperm.xlane v3, v0;
	_ =	sdelay $0x1  }
0x42: {  	v3 =	vperm.xlane v3, v2;
	v4 =	vadd.s32 v1, v4;
	_ =	sdelay $0x1  }
0x43: {  	v3 =	vadd.s32 v1, v3;
	_ =	sdelay $0x2  }
0x44: {  	[tilespmem:s16], [sflag:$0x1] =	stream.indirect_vreg.gather [hbm4b:s3+s2], $0x80, v4, vm0, $0xb8;
	[tilespmem:$0x9000] =	vst v63  }
0x45: {  	_ = 	snop  }
0x46: {  	[tilespmem:s17], [sflag:$0x1] =	stream.indirect_vreg.gather [hbm4b:s3+s2], $0x80, v3, vm0, $0xb8;
	[tilespmem:$0x9000] =	vst v63  }
0x47: {  	v3 =	vld [tilespmem:s26+$0x10];
	_ =	sdelay $0x4  }
0x48: {  	v61 =	vshll.u32 v3, $0x1  }
0x49: {  	v3 =	vand.u32 $0x7, v3;
	v4 =	vand.u32 $0xFFFFFFF0, v61  }
0x4a: {  	v3 =	vor.u32 v3, v4  }
0x4b: {  	v4 =	vperm.xlane v3, v0;
	_ =	sdelay $0x1  }
0x4c: {  	v3 =	vperm.xlane v3, v2;
	v4 =	vadd.s32 v1, v4;
	_ =	sdelay $0x1  }
0x4d: {  	v3 =	vadd.s32 v1, v3;
	_ =	sdelay $0x2  }
0x4e: {  	[tilespmem:s18], [sflag:$0x1] =	stream.indirect_vreg.gather [hbm4b:s3+s2], $0x80, v4, vm0, $0xb8;
	[tilespmem:$0x9000] =	vst v63  }
0x4f: {  	_ = 	snop  }
0x50: {  	[tilespmem:s19], [sflag:$0x1] =	stream.indirect_vreg.gather [hbm4b:s3+s2], $0x80, v3, vm0, $0xb8;
	[tilespmem:$0x9000] =	vst v63  }
0x51: {  	v3 =	vld [tilespmem:s26+$0x20];
	_ =	sdelay $0x4  }
0x52: {  	v62 =	vshll.u32 v3, $0x1  }
0x53: {  	v3 =	vand.u32 $0x7, v3;
	v4 =	vand.u32 $0xFFFFFFF0, v62  }
0x54: {  	v3 =	vor.u32 v3, v4  }
0x55: {  	v4 =	vperm.xlane v3, v0;
	_ =	sdelay $0x1  }
0x56: {  	v3 =	vperm.xlane v3, v2;
	v4 =	vadd.s32 v1, v4;
	_ =	sdelay $0x1  }
0x57: {  	v3 =	vadd.s32 v1, v3;
	_ =	sdelay $0x2  }
0x58: {  	[tilespmem:s20], [sflag:$0x1] =	stream.indirect_vreg.gather [hbm4b:s3+s2], $0x80, v4, vm0, $0xb8;
	[tilespmem:$0x9000] =	vst v63  }
0x59: {  	_ = 	snop  }
0x5a: {  	[tilespmem:s21], [sflag:$0x1] =	stream.indirect_vreg.gather [hbm4b:s3+s2], $0x80, v3, vm0, $0xb8;
	[tilespmem:$0x9000] =	vst v63  }
0x5b: {  	v3 =	vld [tilespmem:s26+$0x30];
	_ =	sdelay $0x4  }
0x5c: {  	v63 =	vshll.u32 v3, $0x1  }
0x5d: {  	v3 =	vand.u32 $0x7, v3;
	v4 =	vand.u32 $0xFFFFFFF0, v63  }
0x5e: {  	v3 =	vor.u32 v3, v4  }
0x5f: {  	v4 =	vperm.xlane v3, v0;
	_ =	sdelay $0x1  }
0x60: {  	v3 =	vperm.xlane v3, v2;
	v4 =	vadd.s32 v1, v4;
	_ =	sdelay $0x1  }
0x61: {  	v3 =	vadd.s32 v1, v3;
	_ =	sdelay $0x2  }
0x62: {  	[tilespmem:s22], [sflag:$0x1] =	stream.indirect_vreg.gather [hbm4b:s3+s2], $0x80, v4, vm0, $0xb8;
	[tilespmem:$0x9000] =	vst v63  }
0x63: {  	_ = 	snop  }
0x64: {  	[tilespmem:s23], [sflag:$0x1] =	stream.indirect_vreg.gather [hbm4b:s3+s2], $0x80, v3, vm0, $0xb8;
	[tilespmem:$0x9000] =	vst v63  }
0x65: {  	_ =	swait.ge [sflag:s24], $0x8000  }
0x66: {  	p0 =	sne.s32 s28, $0x1F000;
	[sflag:s24] =	ssyncset.done $0x0  }
.Ltmp0:
0x67: {  	s29 =	sadd.s32 s28, s6;
	[sflag:s24] =	ssyncadd.s32 $0xFFFF8000;
	(pc) =	sbr.rel @p0 .LBB2_2-.Ltmp0, $4  }
0x68: {  	[hbm4b:s29+s2] =	stream.linear.scatter [tilespmem:s8], [sflag:$0x2], $0x8000, $0x38;
	[tilespmem:$0x9000] =	vst v63  }
0x69: {  	_ =	swait.ge [sflag:s7], $0x8000  }
0x6a: {  	[sflag:s7] =	ssyncset.done $0x0  }
0x6b: {  	s28 =	sadd.s32 $0x1000, s28;
	s26 =	sadd.s32 $0x80, s26;
	[sflag:s7] =	ssyncadd.s32 $0xFFFF8000  }
0x6c: {  	s25 =	sadd.s32 $0x1, s25  }
0x6d: {  	p0 =	sne.s32 s25, s5  }
.Ltmp1:
0x6e: {  	_ = 	snop;
	(pc) =	sbr.rel @p0 .LBB2_1-.Ltmp1, $1  }
0x6f: {  	_ =	sdelay $0x3  }
0x70: {  	_ =	sfence.sel $0x180000  }
0x71: {  	[bflag:$0x0] =	sbarrier.arrive $0xFFFF  }
0x72: {  	p0 =	sne.s32 s1, $0x0;
	_ =	strace $0x90000047  }
0x73: {  	s0 =	sadd.s32 @!p0 $0x100000, s0;
	[bflag:$0x2] =	sbarrier.arrive $0xFFFF  }
0x74: {  	[sflag:s0] =	ssyncadd.tile.s32 @!p0 $0x1;
	_ =	shalt  }
.Lfunc_end2:
_tile_overlayer_lowered:
.L_overlay_start_2:
0x75: {  	(tag) =	ssettag $0x2  }
0x76: {  	s0 =	rddreg [dreg:$0x0];
	s2 =	stileid.u32  }
0x77: {  	s1 =	rddreg [dreg:$0x1];
	p0 =	sne.s32 s2, $0x0  }
0x78: {  	s3 =	rddreg [dreg:$0x2];
	[bflag:$0x3] =	sbarrier.arrive $0xFFFF;
	s2 =	simm.s32 @!p0 $0x1C02  }
0x79: {  	[timem:s3], [sflag:s2] =	dma.local @!p0 [hbm:s0], s1  }
0x7a: {  	s0 =	simm.s32 @!p0 $0x2  }
0x7b: {  	_ =	swait.ge @!p0 [sflag:s0], s1  }
0x7c: {  	s1 =	ssub.s32 @!p0 $0x0, s1;
	[sflag:s0] =	ssyncset.done @!p0 $0x0  }
0x7d: {  	[sflag:s0] =	ssyncadd.s32 @!p0 s1  }
0x7e: {  	[bflag:$0x3] =	sbarrier.arrive $0xFFFF  }
0x7f: {  	_ =	shalt  }

</sc_bundles>
